<compile_context>
chip_gen: v7x
topology: tpu7x:2x2x1
jax: 0.10.2.dev20260603
libtpu: 0.0.44.dev20260713+nightly
codegen_flags: <defaults>
</compile_context>

<pallas_src>
import functools

import jax
import jax.numpy as jnp
from jax import lax
from jax.experimental import pallas as pl
from jax.experimental.pallas import tpu as pltpu
from jax.experimental.pallas import tpu_sc as plsc

N_ROWS = 6_400_000
_INFO = plsc.get_sparse_core_info()
_NC = _INFO.num_cores
_NS = _INFO.num_subcores
_NW = _NC * _NS
ROWS_PER_W = N_ROWS // _NW
CHUNK = 4_000
N_CHUNKS = ROWS_PER_W // CHUNK
GROUPS = CHUNK // 16
NBUF = 2

_mesh = plsc.VectorSubcoreMesh(core_axis_name="c", subcore_axis_name="s")


@functools.partial(
    pl.kernel,
    mesh=_mesh,
    out_type=jax.ShapeDtypeStruct((N_ROWS * 2,), jnp.float32),
    scratch_types=[
        pltpu.VMEM((CHUNK * 5,), jnp.float32),
        pltpu.VMEM((CHUNK * 5,), jnp.float32),
        pltpu.VMEM((CHUNK * 2,), jnp.float32),
        pltpu.VMEM((CHUNK * 2,), jnp.float32),
        pltpu.SemaphoreType.DMA,
        pltpu.SemaphoreType.DMA,
        pltpu.SemaphoreType.DMA,
        pltpu.SemaphoreType.DMA,
    ],
    compiler_params=pltpu.CompilerParams(needs_layout_passes=False),
)
def _segment_prod_sc(x_hbm, out_hbm, in0, in1, out0, out1, si0, si1, so0, so1):
    wid = lax.axis_index("s") * _NC + lax.axis_index("c")
    in_base = wid * (ROWS_PER_W * 5)
    out_base = wid * (ROWS_PER_W * 2)

    ins = (in0, in1)
    outs = (out0, out1)
    sis = (si0, si1)
    sos = (so0, so1)

    lanes = lax.iota(jnp.int32, 16)
    in_lanes = lanes * 5
    out_lanes = lanes * 2

    for b in range(NBUF):
        pltpu.async_copy(
            x_hbm.at[pl.ds(in_base + b * (CHUNK * 5), CHUNK * 5)],
            ins[b], sis[b])

    def outer(j, _):
        for b in range(NBUF):
            it = j * NBUF + b
            iv, ov, si, so = ins[b], outs[b], sis[b], sos[b]

            pltpu.make_async_copy(
                x_hbm.at[pl.ds(0, CHUNK * 5)], iv, si).wait()
            @pl.when(it >= NBUF)
            def _():
                pltpu.make_async_copy(
                    x_hbm.at[pl.ds(0, CHUNK * 2)], ov, so).wait()

            @plsc.parallel_loop(0, GROUPS, unroll=10)
            def _(g):
                idx = g * 80 + in_lanes
                a = plsc.load_gather(iv, [idx])
                bb = plsc.load_gather(iv, [idx + 1])
                c = plsc.load_gather(iv, [idx + 2])
                d = plsc.load_gather(iv, [idx + 3])
                e = plsc.load_gather(iv, [idx + 4])
                oidx = g * 32 + out_lanes
                plsc.store_scatter(ov, [oidx], a * bb * c)
                plsc.store_scatter(ov, [oidx + 1], d * e)

            pltpu.async_copy(
                ov, out_hbm.at[pl.ds(out_base + it * (CHUNK * 2),
                                     CHUNK * 2)], so)

            @pl.when(it + NBUF < N_CHUNKS)
            def _():
                pltpu.async_copy(
                    x_hbm.at[pl.ds(in_base + (it + NBUF) * (CHUNK * 5),
                                   CHUNK * 5)],
                    iv, si)
        return 0

    lax.fori_loop(0, N_CHUNKS // NBUF, outer, 0)

    for b in range(NBUF):
        pltpu.make_async_copy(
            x_hbm.at[pl.ds(0, CHUNK * 2)], outs[b], sos[b]).wait()


def kernel(x):
    flat = _segment_prod_sc(x.reshape(-1))
    return flat.reshape(N_ROWS, 2)

# --- scband reference (transcript-rebuilt; emitter-appended) ---
"""Pipeline reference for scband-my-layer1-11879879544057 (READ-ONLY COPY).

The authoritative reference and input builder live on the scoring server;
editing this copy changes nothing except your own understanding.
"""

import jax, jax.numpy as jnp
import numpy as np


def setup_inputs(seed: int = 0) -> dict:
    key = jax.random.key(seed)
    x = jax.random.normal(key, (6400000, 5), dtype=jnp.float32)
    return {"inputs": x}


def reference(inputs):
    # Faithful translation of:
    #   segments = tf.constant([0, 0, 0, 1, 1])
    #   tf.transpose(tf.math.segment_prod(tf.transpose(inputs), segments))
    segments = jnp.array([0, 0, 0, 1, 1], dtype=jnp.int32)
    xt = jnp.transpose(inputs)  # [5, N]
    # segment_prod over the first axis of xt, 2 segments
    out_t = jax.ops.segment_prod(xt, segments, num_segments=2)  # [2, N]
    return jnp.transpose(out_t)  # [N, 2]

if __name__ == "__main__":
    import jax
    _d = setup_inputs()
    print(jax.jit(kernel)(*tuple(_d.values())))

</pallas_src>

<mosaic_0001>
#map = affine_map<(d0, d1) -> (0)>
module attributes {stable_mosaic.version = 14 : i64} {
  func.func @_segment_prod_sc(%arg0: i32, %arg1: i32, %arg2: memref<32000000xf32, #tpu.memory_space<hbm>>, %arg3: memref<12800000xf32, #tpu.memory_space<hbm>>, %arg4: memref<20000xf32, #tpu.memory_space<vmem>>, %arg5: memref<20000xf32, #tpu.memory_space<vmem>>, %arg6: memref<8000xf32, #tpu.memory_space<vmem>>, %arg7: memref<8000xf32, #tpu.memory_space<vmem>>, %arg8: memref<!tpu.dma_semaphore, #tpu.memory_space<semaphore_mem>>, %arg9: memref<!tpu.dma_semaphore, #tpu.memory_space<semaphore_mem>>, %arg10: memref<!tpu.dma_semaphore, #tpu.memory_space<semaphore_mem>>, %arg11: memref<!tpu.dma_semaphore, #tpu.memory_space<semaphore_mem>>) attributes {dimension_semantics = [#tpu.dimension_semantics<core_parallel>, #tpu.dimension_semantics<subcore_parallel>], iteration_bounds = array<i64: 2, 16>, scalar_prefetch = 0 : i64, scratch_operands = 8 : i64, tpu.core_type = #tpu.core_type<sc_vector_subcore>, window_params = [{transform_indices = #map}, {transform_indices = #map}]} {
    %mul3A = arith.constant 2 : i32
    %mul3A_0 = arith.muli %arg1, %mul3A : i32
    %add3A = arith.addi %mul3A_0, %arg0 : i32
    %mul3A_1 = arith.constant 1000000 : i32
    %mul3A_2 = arith.muli %add3A, %mul3A_1 : i32
    %mul3A_3 = arith.constant 400000 : i32
    %mul3A_4 = arith.muli %add3A, %mul3A_3 : i32
    %iota3A = tpu.iota {dimensions = array<i32: 0>} : vector<16xi32>
    %mul3A_5 = arith.constant 5 : i32
    %mul3A_6 = vector.broadcast %mul3A_5 : i32 to vector<16xi32>
    %mul3A_7 = arith.muli %iota3A, %mul3A_6 : vector<16xi32>
    %mul3A_8 = arith.constant 2 : i32
    %mul3A_9 = vector.broadcast %mul3A_8 : i32 to vector<16xi32>
    %mul3A_10 = arith.muli %iota3A, %mul3A_9 : vector<16xi32>
    %add3A_11 = arith.constant 0 : i32
    %add3A_12 = arith.addi %mul3A_2, %add3A_11 : i32
    %dma_start3A = tpu.memref_slice %arg2[%add3A_12] : memref<32000000xf32, #tpu.memory_space<hbm>> -> memref<20000xf32, #tpu.memory_space<hbm>>
    %dma_start3A_13 = tpu.memref_slice %arg2[%add3A_12] : memref<32000000xf32, #tpu.memory_space<hbm>> -> memref<20000xf32, #tpu.memory_space<hbm>>
    tpu.enqueue_dma source(%dma_start3A_13 : memref<20000xf32, #tpu.memory_space<hbm>>) target(%arg4 : memref<20000xf32, #tpu.memory_space<vmem>>) target_semaphore(%arg8 : memref<!tpu.dma_semaphore, #tpu.memory_space<semaphore_mem>>)
    %add3A_14 = arith.constant 20000 : i32
    %add3A_15 = arith.addi %mul3A_2, %add3A_14 : i32
    %dma_start3A_16 = tpu.memref_slice %arg2[%add3A_15] : memref<32000000xf32, #tpu.memory_space<hbm>> -> memref<20000xf32, #tpu.memory_space<hbm>>
    %dma_start3A_17 = tpu.memref_slice %arg2[%add3A_15] : memref<32000000xf32, #tpu.memory_space<hbm>> -> memref<20000xf32, #tpu.memory_space<hbm>>
    tpu.enqueue_dma source(%dma_start3A_17 : memref<20000xf32, #tpu.memory_space<hbm>>) target(%arg5 : memref<20000xf32, #tpu.memory_space<vmem>>) target_semaphore(%arg9 : memref<!tpu.dma_semaphore, #tpu.memory_space<semaphore_mem>>)
    %scan3A = arith.constant 0 : i32
    %scan3A_18 = arith.constant 0 : i32
    %scan3A_19 = arith.constant 25 : i32
    %scan3A_20 = arith.addi %scan3A_18, %scan3A_19 : i32
    %scan3A_21 = arith.constant 1 : i32
    %scan3A_22 = scf.for %scan3A_31 = %scan3A_18 to %scan3A_20 step %scan3A_21 iter_args(%scan3A_32 = %scan3A) -> (i32)  : i32 {
      %mul3A_33 = arith.constant 2 : i32
      %mul3A_34 = arith.muli %scan3A_31, %mul3A_33 : i32
      %add3A_35 = arith.constant 0 : i32
      %add3A_36 = arith.addi %mul3A_34, %add3A_35 : i32
      %dma_wait3A_37 = arith.constant 0 : i32
      %dma_wait3A_38 = tpu.memref_slice %arg2[%dma_wait3A_37] : memref<32000000xf32, #tpu.memory_space<hbm>> -> memref<20000xf32, #tpu.memory_space<hbm>>
      %dma_wait3A_39 = arith.constant 0 : i32
      %dma_wait3A_40 = tpu.memref_slice %arg2[%dma_wait3A_39] : memref<32000000xf32, #tpu.memory_space<hbm>> -> memref<20000xf32, #tpu.memory_space<hbm>>
      tpu.wait_dma2 semaphore(%arg8 : memref<!tpu.dma_semaphore, #tpu.memory_space<semaphore_mem>>) src(%dma_wait3A_40 : memref<20000xf32, #tpu.memory_space<hbm>>) dst(%arg4 : memref<20000xf32, #tpu.memory_space<vmem>>)
      %ge3A = arith.constant 2 : i32
      %ge3A_41 = arith.cmpi sge, %add3A_36, %ge3A : i32
      %convert_element_type3A = arith.extui %ge3A_41 : i1 to i32
      %cond3A = arith.constant 0 : i32
      %cond3A_42 = arith.cmpi ne, %convert_element_type3A, %cond3A : i32
      scf.if %cond3A_42 {
        %dma_wait3A_85 = arith.constant 0 : i32
        %dma_wait3A_86 = tpu.memref_slice %arg2[%dma_wait3A_85] : memref<32000000xf32, #tpu.memory_space<hbm>> -> memref<8000xf32, #tpu.memory_space<hbm>>
        %dma_wait3A_87 = arith.constant 0 : i32
        %dma_wait3A_88 = tpu.memref_slice %arg2[%dma_wait3A_87] : memref<32000000xf32, #tpu.memory_space<hbm>> -> memref<8000xf32, #tpu.memory_space<hbm>>
        tpu.wait_dma2 semaphore(%arg10 : memref<!tpu.dma_semaphore, #tpu.memory_space<semaphore_mem>>) src(%dma_wait3A_88 : memref<8000xf32, #tpu.memory_space<hbm>>) dst(%arg6 : memref<8000xf32, #tpu.memory_space<vmem>>)
      } else {
      }
      %parallel_loop3A = arith.constant 0 : i32
      %parallel_loop3A_43 = arith.constant 250 : i32
      %parallel_loop3A_44 = arith.constant 1 : i32
      scf.for %parallel_loop3A_85 = %parallel_loop3A to %parallel_loop3A_43 step %parallel_loop3A_44  : i32 {
        %parallel_loop3A_86 = arith.constant 80 : i32
        %parallel_loop3A_87 = arith.muli %parallel_loop3A_85, %parallel_loop3A_86 : i32
        %parallel_loop3A_88 = vector.broadcast %parallel_loop3A_87 : i32 to vector<16xi32>
        %parallel_loop3A_89 = arith.addi %parallel_loop3A_88, %mul3A_7 : vector<16xi32>
        %parallel_loop3A_90 = tpu.vector_load_idx %arg4[%parallel_loop3A_89] : memref<20000xf32, #tpu.memory_space<vmem>>[vector<16xi32>], vector<16xf32>,
        %parallel_loop3A_91 = arith.constant 1 : i32
        %parallel_loop3A_92 = vector.broadcast %parallel_loop3A_91 : i32 to vector<16xi32>
        %parallel_loop3A_93 = arith.addi %parallel_loop3A_89, %parallel_loop3A_92 : vector<16xi32>
        %parallel_loop3A_94 = tpu.vector_load_idx %arg4[%parallel_loop3A_93] : memref<20000xf32, #tpu.memory_space<vmem>>[vector<16xi32>], vector<16xf32>,
        %parallel_loop3A_95 = arith.constant 2 : i32
        %parallel_loop3A_96 = vector.broadcast %parallel_loop3A_95 : i32 to vector<16xi32>
        %parallel_loop3A_97 = arith.addi %parallel_loop3A_89, %parallel_loop3A_96 : vector<16xi32>
        %parallel_loop3A_98 = tpu.vector_load_idx %arg4[%parallel_loop3A_97] : memref<20000xf32, #tpu.memory_space<vmem>>[vector<16xi32>], vector<16xf32>,
        %parallel_loop3A_99 = arith.constant 3 : i32
        %parallel_loop3A_100 = vector.broadcast %parallel_loop3A_99 : i32 to vector<16xi32>
        %parallel_loop3A_101 = arith.addi %parallel_loop3A_89, %parallel_loop3A_100 : vector<16xi32>
        %parallel_loop3A_102 = tpu.vector_load_idx %arg4[%parallel_loop3A_101] : memref<20000xf32, #tpu.memory_space<vmem>>[vector<16xi32>], vector<16xf32>,
        %parallel_loop3A_103 = arith.constant 4 : i32
        %parallel_loop3A_104 = vector.broadcast %parallel_loop3A_103 : i32 to vector<16xi32>
        %parallel_loop3A_105 = arith.addi %parallel_loop3A_89, %parallel_loop3A_104 : vector<16xi32>
        %parallel_loop3A_106 = tpu.vector_load_idx %arg4[%parallel_loop3A_105] : memref<20000xf32, #tpu.memory_space<vmem>>[vector<16xi32>], vector<16xf32>,
        %parallel_loop3A_107 = arith.constant 32 : i32
        %parallel_loop3A_108 = arith.muli %parallel_loop3A_85, %parallel_loop3A_107 : i32
        %parallel_loop3A_109 = vector.broadcast %parallel_loop3A_108 : i32 to vector<16xi32>
        %parallel_loop3A_110 = arith.addi %parallel_loop3A_109, %mul3A_10 : vector<16xi32>
        %parallel_loop3A_111 = arith.mulf %parallel_loop3A_90, %parallel_loop3A_94 : vector<16xf32>
        %parallel_loop3A_112 = arith.mulf %parallel_loop3A_111, %parallel_loop3A_98 : vector<16xf32>
        tpu.vector_store_idx %arg6[%parallel_loop3A_110], %parallel_loop3A_112 : memref<8000xf32, #tpu.memory_space<vmem>>[vector<16xi32>], vector<16xf32>,
        %parallel_loop3A_113 = arith.constant 1 : i32
        %parallel_loop3A_114 = vector.broadcast %parallel_loop3A_113 : i32 to vector<16xi32>
        %parallel_loop3A_115 = arith.addi %parallel_loop3A_110, %parallel_loop3A_114 : vector<16xi32>
        %parallel_loop3A_116 = arith.mulf %parallel_loop3A_102, %parallel_loop3A_106 : vector<16xf32>
        tpu.vector_store_idx %arg6[%parallel_loop3A_115], %parallel_loop3A_116 : memref<8000xf32, #tpu.memory_space<vmem>>[vector<16xi32>], vector<16xf32>,
      } {sc.loop_unroll_factor = 10 : i64, sc.parallel_access}
      %mul3A_45 = arith.constant 8000 : i32
      %mul3A_46 = arith.muli %add3A_36, %mul3A_45 : i32
      %add3A_47 = arith.addi %mul3A_4, %mul3A_46 : i32
      %dma_start3A_48 = tpu.memref_slice %arg3[%add3A_47] : memref<12800000xf32, #tpu.memory_space<hbm>> -> memref<8000xf32, #tpu.memory_space<hbm>>
      %dma_start3A_49 = tpu.memref_slice %arg3[%add3A_47] : memref<12800000xf32, #tpu.memory_space<hbm>> -> memref<8000xf32, #tpu.memory_space<hbm>>
      tpu.enqueue_dma source(%arg6 : memref<8000xf32, #tpu.memory_space<vmem>>) target(%dma_start3A_49 : memref<8000xf32, #tpu.memory_space<hbm>>) target_semaphore(%arg10 : memref<!tpu.dma_semaphore, #tpu.memory_space<semaphore_mem>>)
      %add3A_50 = arith.constant 2 : i32
      %add3A_51 = arith.addi %add3A_36, %add3A_50 : i32
      %lt3A = arith.constant 50 : i32
      %lt3A_52 = arith.cmpi slt, %add3A_51, %lt3A : i32
      %convert_element_type3A_53 = arith.extui %lt3A_52 : i1 to i32
      %cond3A_54 = arith.constant 0 : i32
      %cond3A_55 = arith.cmpi ne, %convert_element_type3A_53, %cond3A_54 : i32
      scf.if %cond3A_55 {
        %add3A_85 = arith.constant 2 : i32
        %add3A_86 = arith.addi %add3A_36, %add3A_85 : i32
        %mul3A_87 = arith.constant 20000 : i32
        %mul3A_88 = arith.muli %add3A_86, %mul3A_87 : i32
        %add3A_89 = arith.addi %mul3A_2, %mul3A_88 : i32
        %dma_start3A_90 = tpu.memref_slice %arg2[%add3A_89] : memref<32000000xf32, #tpu.memory_space<hbm>> -> memref<20000xf32, #tpu.memory_space<hbm>>
        %dma_start3A_91 = tpu.memref_slice %arg2[%add3A_89] : memref<32000000xf32, #tpu.memory_space<hbm>> -> memref<20000xf32, #tpu.memory_space<hbm>>
        tpu.enqueue_dma source(%dma_start3A_91 : memref<20000xf32, #tpu.memory_space<hbm>>) target(%arg4 : memref<20000xf32, #tpu.memory_space<vmem>>) target_semaphore(%arg8 : memref<!tpu.dma_semaphore, #tpu.memory_space<semaphore_mem>>)
      } else {
      }
      %mul3A_56 = arith.constant 2 : i32
      %mul3A_57 = arith.muli %scan3A_31, %mul3A_56 : i32
      %add3A_58 = arith.constant 1 : i32
      %add3A_59 = arith.addi %mul3A_57, %add3A_58 : i32
      %dma_wait3A_60 = arith.constant 0 : i32
      %dma_wait3A_61 = tpu.memref_slice %arg2[%dma_wait3A_60] : memref<32000000xf32, #tpu.memory_space<hbm>> -> memref<20000xf32, #tpu.memory_space<hbm>>
      %dma_wait3A_62 = arith.constant 0 : i32
      %dma_wait3A_63 = tpu.memref_slice %arg2[%dma_wait3A_62] : memref<32000000xf32, #tpu.memory_space<hbm>> -> memref<20000xf32, #tpu.memory_space<hbm>>
      tpu.wait_dma2 semaphore(%arg9 : memref<!tpu.dma_semaphore, #tpu.memory_space<semaphore_mem>>) src(%dma_wait3A_63 : memref<20000xf32, #tpu.memory_space<hbm>>) dst(%arg5 : memref<20000xf32, #tpu.memory_space<vmem>>)
      %ge3A_64 = arith.constant 2 : i32
      %ge3A_65 = arith.cmpi sge, %add3A_59, %ge3A_64 : i32
      %convert_element_type3A_66 = arith.extui %ge3A_65 : i1 to i32
      %cond3A_67 = arith.constant 0 : i32
      %cond3A_68 = arith.cmpi ne, %convert_element_type3A_66, %cond3A_67 : i32
      scf.if %cond3A_68 {
        %dma_wait3A_85 = arith.constant 0 : i32
        %dma_wait3A_86 = tpu.memref_slice %arg2[%dma_wait3A_85] : memref<32000000xf32, #tpu.memory_space<hbm>> -> memref<8000xf32, #tpu.memory_space<hbm>>
        %dma_wait3A_87 = arith.constant 0 : i32
        %dma_wait3A_88 = tpu.memref_slice %arg2[%dma_wait3A_87] : memref<32000000xf32, #tpu.memory_space<hbm>> -> memref<8000xf32, #tpu.memory_space<hbm>>
        tpu.wait_dma2 semaphore(%arg11 : memref<!tpu.dma_semaphore, #tpu.memory_space<semaphore_mem>>) src(%dma_wait3A_88 : memref<8000xf32, #tpu.memory_space<hbm>>) dst(%arg7 : memref<8000xf32, #tpu.memory_space<vmem>>)
      } else {
      }
      %parallel_loop3A_69 = arith.constant 0 : i32
      %parallel_loop3A_70 = arith.constant 250 : i32
      %parallel_loop3A_71 = arith.constant 1 : i32
      scf.for %parallel_loop3A_85 = %parallel_loop3A_69 to %parallel_loop3A_70 step %parallel_loop3A_71  : i32 {
        %parallel_loop3A_86 = arith.constant 80 : i32
        %parallel_loop3A_87 = arith.muli %parallel_loop3A_85, %parallel_loop3A_86 : i32
        %parallel_loop3A_88 = vector.broadcast %parallel_loop3A_87 : i32 to vector<16xi32>
        %parallel_loop3A_89 = arith.addi %parallel_loop3A_88, %mul3A_7 : vector<16xi32>
        %parallel_loop3A_90 = tpu.vector_load_idx %arg5[%parallel_loop3A_89] : memref<20000xf32, #tpu.memory_space<vmem>>[vector<16xi32>], vector<16xf32>,
        %parallel_loop3A_91 = arith.constant 1 : i32
        %parallel_loop3A_92 = vector.broadcast %parallel_loop3A_91 : i32 to vector<16xi32>
        %parallel_loop3A_93 = arith.addi %parallel_loop3A_89, %parallel_loop3A_92 : vector<16xi32>
        %parallel_loop3A_94 = tpu.vector_load_idx %arg5[%parallel_loop3A_93] : memref<20000xf32, #tpu.memory_space<vmem>>[vector<16xi32>], vector<16xf32>,
        %parallel_loop3A_95 = arith.constant 2 : i32
        %parallel_loop3A_96 = vector.broadcast %parallel_loop3A_95 : i32 to vector<16xi32>
        %parallel_loop3A_97 = arith.addi %parallel_loop3A_89, %parallel_loop3A_96 : vector<16xi32>
        %parallel_loop3A_98 = tpu.vector_load_idx %arg5[%parallel_loop3A_97] : memref<20000xf32, #tpu.memory_space<vmem>>[vector<16xi32>], vector<16xf32>,
        %parallel_loop3A_99 = arith.constant 3 : i32
        %parallel_loop3A_100 = vector.broadcast %parallel_loop3A_99 : i32 to vector<16xi32>
        %parallel_loop3A_101 = arith.addi %parallel_loop3A_89, %parallel_loop3A_100 : vector<16xi32>
        %parallel_loop3A_102 = tpu.vector_load_idx %arg5[%parallel_loop3A_101] : memref<20000xf32, #tpu.memory_space<vmem>>[vector<16xi32>], vector<16xf32>,
        %parallel_loop3A_103 = arith.constant 4 : i32
        %parallel_loop3A_104 = vector.broadcast %parallel_loop3A_103 : i32 to vector<16xi32>
        %parallel_loop3A_105 = arith.addi %parallel_loop3A_89, %parallel_loop3A_104 : vector<16xi32>
        %parallel_loop3A_106 = tpu.vector_load_idx %arg5[%parallel_loop3A_105] : memref<20000xf32, #tpu.memory_space<vmem>>[vector<16xi32>], vector<16xf32>,
        %parallel_loop3A_107 = arith.constant 32 : i32
        %parallel_loop3A_108 = arith.muli %parallel_loop3A_85, %parallel_loop3A_107 : i32
        %parallel_loop3A_109 = vector.broadcast %parallel_loop3A_108 : i32 to vector<16xi32>
        %parallel_loop3A_110 = arith.addi %parallel_loop3A_109, %mul3A_10 : vector<16xi32>
        %parallel_loop3A_111 = arith.mulf %parallel_loop3A_90, %parallel_loop3A_94 : vector<16xf32>
        %parallel_loop3A_112 = arith.mulf %parallel_loop3A_111, %parallel_loop3A_98 : vector<16xf32>
        tpu.vector_store_idx %arg7[%parallel_loop3A_110], %parallel_loop3A_112 : memref<8000xf32, #tpu.memory_space<vmem>>[vector<16xi32>], vector<16xf32>,
        %parallel_loop3A_113 = arith.constant 1 : i32
        %parallel_loop3A_114 = vector.broadcast %parallel_loop3A_113 : i32 to vector<16xi32>
        %parallel_loop3A_115 = arith.addi %parallel_loop3A_110, %parallel_loop3A_114 : vector<16xi32>
        %parallel_loop3A_116 = arith.mulf %parallel_loop3A_102, %parallel_loop3A_106 : vector<16xf32>
        tpu.vector_store_idx %arg7[%parallel_loop3A_115], %parallel_loop3A_116 : memref<8000xf32, #tpu.memory_space<vmem>>[vector<16xi32>], vector<16xf32>,
      } {sc.loop_unroll_factor = 10 : i64, sc.parallel_access}
      %mul3A_72 = arith.constant 8000 : i32
      %mul3A_73 = arith.muli %add3A_59, %mul3A_72 : i32
      %add3A_74 = arith.addi %mul3A_4, %mul3A_73 : i32
      %dma_start3A_75 = tpu.memref_slice %arg3[%add3A_74] : memref<12800000xf32, #tpu.memory_space<hbm>> -> memref<8000xf32, #tpu.memory_space<hbm>>
      %dma_start3A_76 = tpu.memref_slice %arg3[%add3A_74] : memref<12800000xf32, #tpu.memory_space<hbm>> -> memref<8000xf32, #tpu.memory_space<hbm>>
      tpu.enqueue_dma source(%arg7 : memref<8000xf32, #tpu.memory_space<vmem>>) target(%dma_start3A_76 : memref<8000xf32, #tpu.memory_space<hbm>>) target_semaphore(%arg11 : memref<!tpu.dma_semaphore, #tpu.memory_space<semaphore_mem>>)
      %add3A_77 = arith.constant 2 : i32
      %add3A_78 = arith.addi %add3A_59, %add3A_77 : i32
      %lt3A_79 = arith.constant 50 : i32
      %lt3A_80 = arith.cmpi slt, %add3A_78, %lt3A_79 : i32
      %convert_element_type3A_81 = arith.extui %lt3A_80 : i1 to i32
      %cond3A_82 = arith.constant 0 : i32
      %cond3A_83 = arith.cmpi ne, %convert_element_type3A_81, %cond3A_82 : i32
      scf.if %cond3A_83 {
        %add3A_85 = arith.constant 2 : i32
        %add3A_86 = arith.addi %add3A_59, %add3A_85 : i32
        %mul3A_87 = arith.constant 20000 : i32
        %mul3A_88 = arith.muli %add3A_86, %mul3A_87 : i32
        %add3A_89 = arith.addi %mul3A_2, %mul3A_88 : i32
        %dma_start3A_90 = tpu.memref_slice %arg2[%add3A_89] : memref<32000000xf32, #tpu.memory_space<hbm>> -> memref<20000xf32, #tpu.memory_space<hbm>>
        %dma_start3A_91 = tpu.memref_slice %arg2[%add3A_89] : memref<32000000xf32, #tpu.memory_space<hbm>> -> memref<20000xf32, #tpu.memory_space<hbm>>
        tpu.enqueue_dma source(%dma_start3A_91 : memref<20000xf32, #tpu.memory_space<hbm>>) target(%arg5 : memref<20000xf32, #tpu.memory_space<vmem>>) target_semaphore(%arg9 : memref<!tpu.dma_semaphore, #tpu.memory_space<semaphore_mem>>)
      } else {
      }
      %scan3A_84 = arith.constant 0 : i32
      scf.yield %scan3A_84 : i32
    }
    %scan3A_23 = arith.constant 25 : i32
    %dma_wait3A = arith.constant 0 : i32
    %dma_wait3A_24 = tpu.memref_slice %arg2[%dma_wait3A] : memref<32000000xf32, #tpu.memory_space<hbm>> -> memref<8000xf32, #tpu.memory_space<hbm>>
    %dma_wait3A_25 = arith.constant 0 : i32
    %dma_wait3A_26 = tpu.memref_slice %arg2[%dma_wait3A_25] : memref<32000000xf32, #tpu.memory_space<hbm>> -> memref<8000xf32, #tpu.memory_space<hbm>>
    tpu.wait_dma2 semaphore(%arg10 : memref<!tpu.dma_semaphore, #tpu.memory_space<semaphore_mem>>) src(%dma_wait3A_26 : memref<8000xf32, #tpu.memory_space<hbm>>) dst(%arg6 : memref<8000xf32, #tpu.memory_space<vmem>>)
    %dma_wait3A_27 = arith.constant 0 : i32
    %dma_wait3A_28 = tpu.memref_slice %arg2[%dma_wait3A_27] : memref<32000000xf32, #tpu.memory_space<hbm>> -> memref<8000xf32, #tpu.memory_space<hbm>>
    %dma_wait3A_29 = arith.constant 0 : i32
    %dma_wait3A_30 = tpu.memref_slice %arg2[%dma_wait3A_29] : memref<32000000xf32, #tpu.memory_space<hbm>> -> memref<8000xf32, #tpu.memory_space<hbm>>
    tpu.wait_dma2 semaphore(%arg11 : memref<!tpu.dma_semaphore, #tpu.memory_space<semaphore_mem>>) src(%dma_wait3A_30 : memref<8000xf32, #tpu.memory_space<hbm>>) dst(%arg7 : memref<8000xf32, #tpu.memory_space<vmem>>)
    return
  }
}

</mosaic_0001>

<sc_bundles>
// kernel: kernel.3.cloned.1.call-start
scs
__scs_entry_jumppad:
0x0: {  	(pc) =	sbr.rel $0x88, $3  }
0x1: {  	(tag) =	ssettag $0x0;
	lr =	simm.s32 $0x1  }
0x2: {  	[smem:$0x3FA0] =	sst lr;
	_ =	strace $0xD0000000  }
0x3: {  	_ = 	snop  }
0x4: {  	_ = 	snop  }
0x5: {  	_ = 	snop  }
0x6: {  	_ = 	snop  }
0x7: {  	_ = 	snop  }
__scs_overlays_trampoline_lowered:
0x8: {  	[smem:$0x3FAF] =	sst s0  }
0x9: {  	[smem:$0x3FB0] =	sst s1  }
0xa: {  	[smem:$0x3FB1] =	sst s2  }
0xb: {  	[smem:$0x3FB2] =	sst s3  }
0xc: {  	[smem:$0x3FB3] =	sst s4  }
0xd: {  	[smem:$0x3FB4] =	sst s5  }
0xe: {  	[smem:$0x3FB5] =	sst s6  }
0xf: {  	[smem:$0x3FB6] =	sst s7  }
0x10: {  	[smem:$0x3FB7] =	sst s8  }
0x11: {  	[smem:$0x3FB8] =	sst s9;
	s0 =	simm.s32 @!p0 $0x0  }
0x12: {  	s1 =	sld [smem:$0x3F9E];
	s0 =	simm.s32 @p0 $0x1  }
0x13: {  	[smem:$0x3FB9] =	sst s0;
	s0 =	simm.s32 @!p1 $0x0  }
0x14: {  	s2 =	sld [smem:$0x3F9D];
	s0 =	simm.s32 @p1 $0x1  }
0x15: {  	[smem:$0x3FBA] =	sst s0;
	s0 =	simm.s32 @!p2 $0x0  }
0x16: {  	s3 =	sld [smem:$0x3FDB];
	s0 =	simm.s32 @p2 $0x1  }
0x17: {  	s4 =	simm.s32 $0x1BF5;
	[smem:$0x3FBC] =	sst s0  }
0x18: {  	s0 =	sld [smem:$0x3F9F];
	_ =	swait.ge [sflag:s4], $0x0  }
0x19: {  	s7 =	sld [smem:$0x3FA0]  }
0x1a: {  	s8 =	sadd.s32 $0xFFFFE003, lr  }
0x1b: {  	s9 =	sadd.s32 $0xFFFFFEF7, lr;
	s5 =	simm.s32 $0xFFFFFFFF;
	p2 =	slt.u32 s8, $0xFFFFF086  }
0x1c: {  	p1 =	slt.u32 s9, $0xF7A;
	s5 =	simm.s32 @!p2 $0x0  }
0x1d: {  	s5 =	simm.s32 @p1 $0x1;
	p0 =	seq.s32 s7, s2  }
0x1e: {  	s7 =	smul.u32 @!p0 $0xF7A, s2;
	p2 =	seq.s32 @!p0 s5, $0x0  }
0x1f: {  	s9 =	smul.u32 $0xF7A, s1;
	s8 =	simm.s32 @!p0 $0x1BF5;
	p2 =	por !p2, p0  }
0x20: {  	[sflag:s8] =	ssyncset.s32 @!p0 $0xFFFFF086;
	s6 =	sadd.s32 @!p0 s3, s7;
	s7 =	simm.s32 @!p0 $0x108  }
0x21: {  	s3 =	sadd.s32 s3, s9;
	s6 =	sadd.s32 @!p0 $0x88, s6;
	s7 =	simm.s32 @p2 $0x1082  }
0x22: {  	[simem:s7], [sflag:s8] =	dma.local @!p0 [hbm:s6], $0xF7A  }
0x23: {  	s9 =	sor.u32 $0xD0000000, s2;
	s6 =	simm.s32 $0x108;
	_ =	swait.ge @!p0 [sflag:s8], $0x0  }
0x24: {  	s3 =	sadd.s32 $0x88, s3;
	s6 =	simm.s32 @!p1 $0x1082;
	[sflag:s4] =	ssyncset.s32 $0xFFFFF086  }
0x25: {  	[simem:s6], [sflag:s4] =	dma.local [hbm:s3], $0xF7A  }
0x26: {  	[smem:$0x3FA0] =	sst s1;
	(tag) =	ssettag s2;
	_ =	strace s9  }
0x27: {  	s1 =	sld [smem:$0x3FB0]  }
0x28: {  	s2 =	sld [smem:$0x3FB1]  }
0x29: {  	s4 =	sld [smem:$0x3FB3]  }
0x2a: {  	p0 =	seq.s32 s5, $0x0;
	s5 =	sld [smem:$0x3FB4]  }
0x2b: {  	s6 =	sld [smem:$0x3FB5]  }
0x2c: {  	s7 =	sld [smem:$0x3FB6]  }
0x2d: {  	s3 =	simm.s32 $0x108;
	s8 =	sld [smem:$0x3FB7]  }
0x2e: {  	s3 =	simm.s32 @!p0 $0x1082;
	s9 =	sld [smem:$0x3FB8]  }
0x2f: {  	lr =	sadd.s32 s0, s3;
	s0 =	sld [smem:$0x3FAF]  }
0x30: {  	s3 =	sld [smem:$0x3FB2]  }
0x31: {  	[smem:$0x3FBB] =	sst s10  }
0x32: {  	s10 =	sld [smem:$0x3FB9];
	_ =	sdelay $0x3  }
0x33: {  	p0 =	seq.s32 s10, $0x1;
	s10 =	sld [smem:$0x3FBB];
	_ =	sdelay $0x3  }
0x34: {  	[smem:$0x3FBB] =	sst s10  }
0x35: {  	s10 =	sld [smem:$0x3FBA];
	_ =	sdelay $0x3  }
0x36: {  	p1 =	seq.s32 s10, $0x1;
	s10 =	sld [smem:$0x3FBB];
	_ =	sdelay $0x3  }
0x37: {  	[smem:$0x3FBB] =	sst s10  }
0x38: {  	s10 =	sld [smem:$0x3FBC]  }
0x39: {  	_ = 	snop;
	(pc) =	sbr.ind lr, $3  }
0x3a: {  	_ = 	snop  }
0x3b: {  	_ = 	snop  }
0x3c: {  	p2 =	seq.s32 s10, $0x1;
	s10 =	sld [smem:$0x3FBB]  }
0x3d: {  	_ =	shalt  }
0x3e: {  	_ =	shalt  }
0x3f: {  	_ =	shalt  }
0x40: {  	_ =	shalt  }
0x41: {  	_ =	shalt  }
0x42: {  	_ =	shalt  }
0x43: {  	_ =	shalt  }
0x44: {  	_ =	shalt  }
0x45: {  	_ =	shalt  }
0x46: {  	_ =	shalt  }
0x47: {  	_ =	shalt  }
0x48: {  	_ =	shalt  }
0x49: {  	_ =	shalt  }
0x4a: {  	_ =	shalt  }
0x4b: {  	_ =	shalt  }
0x4c: {  	_ =	shalt  }
0x4d: {  	_ =	shalt  }
0x4e: {  	_ =	shalt  }
0x4f: {  	_ =	shalt  }
0x50: {  	_ =	shalt  }
0x51: {  	_ =	shalt  }
0x52: {  	_ =	shalt  }
0x53: {  	_ =	shalt  }
0x54: {  	_ =	shalt  }
0x55: {  	_ =	shalt  }
0x56: {  	_ =	shalt  }
0x57: {  	_ =	shalt  }
0x58: {  	_ =	shalt  }
0x59: {  	_ =	shalt  }
0x5a: {  	_ =	shalt  }
0x5b: {  	_ =	shalt  }
0x5c: {  	_ =	shalt  }
0x5d: {  	_ =	shalt  }
0x5e: {  	_ =	shalt  }
0x5f: {  	_ =	shalt  }
0x60: {  	_ =	shalt  }
0x61: {  	_ =	shalt  }
0x62: {  	_ =	shalt  }
0x63: {  	_ =	shalt  }
0x64: {  	_ =	shalt  }
0x65: {  	_ =	shalt  }
0x66: {  	_ =	shalt  }
0x67: {  	_ =	shalt  }
0x68: {  	_ =	shalt  }
0x69: {  	_ =	shalt  }
0x6a: {  	_ =	shalt  }
0x6b: {  	_ =	shalt  }
0x6c: {  	_ =	shalt  }
0x6d: {  	_ =	shalt  }
0x6e: {  	_ =	shalt  }
0x6f: {  	_ =	shalt  }
0x70: {  	_ =	shalt  }
0x71: {  	_ =	shalt  }
0x72: {  	_ =	shalt  }
0x73: {  	_ =	shalt  }
0x74: {  	_ =	shalt  }
0x75: {  	_ =	shalt  }
0x76: {  	_ =	shalt  }
0x77: {  	_ =	shalt  }
0x78: {  	_ =	shalt  }
0x79: {  	_ =	shalt  }
0x7a: {  	_ =	shalt  }
0x7b: {  	_ =	shalt  }
0x7c: {  	_ =	shalt  }
0x7d: {  	_ =	shalt  }
0x7e: {  	_ =	shalt  }
0x7f: {  	_ =	shalt  }
0x80: {  	_ =	shalt  }
0x81: {  	_ =	shalt  }
0x82: {  	_ =	shalt  }
0x83: {  	_ =	shalt  }
0x84: {  	_ =	shalt  }
0x85: {  	_ =	shalt  }
0x86: {  	_ =	shalt  }
0x87: {  	_ =	shalt  }
.Lfunc_end0:
.L_simem_size_0:
called_computation.1_lowered:
.L_overlay_start_0:
0x88: {  	s2 =	sld [smem:$0x3FD9]  }
0x89: {  	s3 =	sld [smem:$0x3FFE];
	_ =	sdelay $0x1  }
0x8a: {  	s1 =	srdreg.scid  }
0x8b: {  	s0 =	sand.u32 $0x1, s1  }
0x8c: {  	s17 =	sshll.u32 s0, $0xA;
	s2 =	sadd.s32 s3, s2  }
0x8d: {  	s2 =	sadd.s32 s2, s17  }
0x8e: {  	[smem:$0x3FC7] =	sst s2  }
0x8f: {  	_ = 	snop  }
0x90: {  	s2 =	sld [smem:$0x3FD0];
	(tm) =	ssettm $0x1  }
0x91: {  	s18 =	sld [smem:$0x3FFB];
	_ =	sdelay $0x3  }
0x92: {  	_ =	strace s18  }
0x93: {  	s3 =	sld [smem:$0x3FFC];
	_ =	sdelay $0x3  }
0x94: {  	_ =	strace s3  }
0x95: {  	s3 =	sld [smem:$0x3FFD];
	_ =	sdelay $0x3  }
0x96: {  	_ =	strace s3  }
0x97: {  	_ =	strace $0x8FFFFFFF  }
0x98: {  	s19 =	sld [smem:$0x3FDB];
	_ =	sdelay $0x1  }
0x99: {  	s4 =	simm.s32 $_scs_section_size  }
0x9a: {  	s5 =	simm.s32 $_size__tile_overlayer_lowered;
	s6 =	simm.s32 $_tile_overlayer_lowered  }
0x9b: {  	s22 =	simm.s32 $0x1BFF;
	s21 =	sshll.u32 s6, $0x1;
	s3 =	sadd.s32 s4, s19  }
0x9c: {  	s7 =	simm.s32 $0x0;
	s20 =	sshll.u32 s5, $0x1;
	s5 =	sadd.s32 s21, s3  }
0x9d: {  	[timem:s7], [sflag:s22] =	dma.local [hbm:s5], s20  }
0x9e: {  	_ =	swait.ge [sflag:s22], s20  }
0x9f: {  	s4 =	ssub.s32 $0x0, s20;
	[sflag:s22] =	ssyncset.done $0x0  }
0xa0: {  	[sflag:s22] =	ssyncadd.s32 s4;
	_ =	sdelay $0x1  }
0xa1: {  	s23 =	simm.s32 $0x1B8B  }
0xa2: {  	_ =	swait.ge [sflag:s23], $0x1  }
0xa3: {  	[sflag:s23] =	ssyncset.done $0x0  }
0xa4: {  	s25 =	simm.s32 $0x1B8E;
	s24 =	sld [smem:$0x3FFE];
	[sflag:s23] =	ssyncadd.s32 $0xFFFFFFFF  }
0xa5: {  	s26 =	simm.s32 $execute0_lowered;
	[smem:$0x3FD2] =	sst s25  }
0xa6: {  	s5 =	sshll.u32 s26, $0x1;
	_ =	strace $0x80000046;
	[dreg:$0x1] =	wrdreg $0xFFFFFFFF  }
0xa7: {  	s28 =	simm.s32 $_size_execute0_lowered;
	s3 =	sadd.s32 s3, s5;
	[dreg:$0x0] =	wrdreg $0x0  }
0xa8: {  	s5 =	sshll.u32 s28, $0x1;
	[dreg:$0x2] =	wrdreg s3  }
0xa9: {  	[dreg:$0x3] =	wrdreg s5  }
0xaa: {  	[dreg:$0x4] =	wrdreg $0xC0  }
0xab: {  	_ =	task [dreg:s7], $0x5FFFF  }
0xac: {  	[dreg:$0x1] =	wrdreg $0xFFFFFFFF  }
0xad: {  	[dreg:$0x0] =	wrdreg $0x60  }
0xae: {  	[dreg:$0x2] =	wrdreg s24  }
0xaf: {  	[dreg:$0x3] =	wrdreg s2  }
0xb0: {  	[dreg:$0x4] =	wrdreg $0x9  }
0xb1: {  	_ =	task.clear_ibuf [dreg:s7], $0x5FFFF;
	_ =	strace $0x90000046  }
0xb2: {  	s29 =	simm.s32 $0x9;
	_ =	strace $0x80000048  }
0xb3: {  	_ =	swait.ge [sflag:s29], $0x1  }
0xb4: {  	[sflag:s29] =	ssyncadd.s32 $0xFFFFFFFF  }
0xb5: {  	_ =	strace $0x90000048  }
0xb6: {  	_ =	sfence  }
0xb7: {  	s30 =	sld [smem:$0x0];
	_ =	sdelay $0x2  }
0xb8: {  	s31 =	sshll.u32 s1, $0xD;
	s1 =	sshrl.u32 s1, $0x2  }
0xb9: {  	s3 =	sand.u32 $0x4000, s31;
	s1 =	sadd.s32 s1, s30  }
0xba: {  	s0 =	sor.u32 s3, s0;
	s1 =	sshll.u32 s1, $0x11  }
0xbb: {  	s0 =	sor.u32 s1, s0  }
0xbc: {  	s0 =	sadd.s32 $0x8F2B, s0  }
0xbd: {  	[sflag:s0] =	ssyncadd.remote.s32 $0x1  }
0xbe: {  	_ =	sfence.sel $0xFFFF  }
0xbf: {  	[dreg:$0x0] =	wrdreg $0xFFFFFFFF;
	(pc) =	sbr.abs _section_cstart, $3  }
0xc0: {  	[dreg:$0x1] =	wrdreg $0xFFFFFFFF  }
0xc1: {  	_ =	task.clear_ibuf [dreg:s7], $0x2FFFF;
	_ =	strace $0x9FFFFFFF  }
0xc2: {  	(tm) =	ssettm $0x7FFFFFFF  }
0xc3: {  	_ =	shalt  }
tec
execute0_lowered:
.L_overlay_start_1:
0x0: {  	(tag) =	ssettag $0x1  }
0x1: {  	s0 =	srdreg.scid  }
0x2: {  	s2 =	stileid.u32;
	s1 =	rddreg [dreg:$0x0];
	s12 =	simm.s32 $0x4E80  }
0x3: {  	s13 =	simm.s32 $0x1;
	s14 =	simm.s32 $0x9D00;
	s15 =	simm.s32 $0x2  }
0x4: {  	s16 =	simm.s32 $0x4;
	s17 =	simm.s32 $0xBC80;
	s19 =	simm.s32 $0x0  }
0x5: {  	s0 =	sand.u32 $0x1, s0;
	s3 =	sshll.u32 s2, $0x1;
	s2 =	rddreg [dreg:$0x1]  }
0x6: {  	s4 =	sadd.s32 $0x61A8800, s1;
	s5 =	sor.u32 s0, s3;
	s0 =	ssub.s32 $0x2, s0  }
0x7: {  	s3 =	simm.s32 $0x0;
	s10 =	smul.u32 $0xF4240, s5;
	s7 =	sshrl.u32 s0, $0x1  }
.Ltmp0:
0x8: {  	v1 =	vlaneseq.u32;
	[smem:$0x7FF] =	sst s3;
	s0 =	ssub.s32 s0, s7;
	(pc) =	sbr.rel .LBB2_1-.Ltmp0, $4  }
0x9: {  	v0 =	vmul.u32 $0x5, v1;
	s5 =	smul.u32 $0x61A80, s5;
	s31 =	sshrl.u32 s10, $0x3;
	s0 =	smax.u32 s0, $0x1  }
0xa: {  	v1 =	vmul.u32 $0x2, v1;
	_ =	strace $0x80000047;
	s1 =	sadd.s32 s4, s31;
	[dreg:$0x5] =	wrdreg s0  }
0xb: {  	v2 =	vadd.s32 $0x1, v0;
	v3 =	vadd.s32 $0x2, v0;
	s8 =	sadd.s32 $0x9C40, s10;
	[dreg:$0x3] =	wrdreg s1;
	s1 =	sadd.s32 $0x9C4, s1  }
0xc: {  	v4 =	vadd.s32 $0x3, v0;
	v5 =	vadd.s32 $0x4, v0;
	v6 =	vor.u32 $0x1, v1;
	s9 =	sadd.s32 $0x1F40, s5;
	s10 =	sadd.s32 $0xEA60, s10;
	[dreg:$0x4] =	wrdreg s1  }
.LBB2_12:
0xd: {  	s0 =	simm.s32 $0x3  }
0xe: {  	_ =	swait.ge [sflag:s0], $0x1F40  }
0xf: {  	[sflag:s0] =	ssyncset.done $0x0  }
0x10: {  	[sflag:s0] =	ssyncadd.s32 $0xFFFFE0C0  }
0x11: {  	_ =	swait.ge [sflag:s16], $0x1F40  }
0x12: {  	s19 =	sadd.s32 $0x1, s19;
	s31 =	rddreg [dreg:$0x5]  }
0x13: {  	p0 =	sne.s32 s19, s31  }
.Ltmp1:
0x14: {  	_ = 	snop;
	(pc) =	sbr.rel @!p0 .LBB2_13-.Ltmp1, $3  }
0x15: {  	_ =	sdelay $0x1  }
0x16: {  	[sflag:s16] =	ssyncset.done $0x0  }
0x17: {  	[sflag:s16] =	ssyncadd.s32 $0xFFFFE0C0  }
.LBB2_1:
0x18: {  	s0 =	rddreg [dreg:$0x3]  }
0x19: {  	[tilespmem:s3], [sflag:$0x1] =	stream.linear.gather [hbm4b:s0+s3], $0x4E20, $0x38;
	[tilespmem:$0xDC00] =	vst v63  }
0x1a: {  	s31 =	rddreg [dreg:$0x4];
	s20 =	simm.s32 $0x0  }
0x1b: {  	[tilespmem:s12], [sflag:$0x2] =	stream.linear.gather [hbm4b:s31+s3], $0x4E20, $0x38;
	[tilespmem:$0xDC00] =	vst v63  }
.LBB2_2:
0x1c: {  	_ =	swait.ge [sflag:s13], $0x4E20;
	s21 =	simm.s32 $0x2D0  }
0x1d: {  	p0 =	seq.s32 s20, $0x0;
	s0 =	simm.s32 $0x280;
	[sflag:s13] =	ssyncset.done $0x0;
	v7 =	vadd.s32 s21, v0  }
0x1e: {  	s1 =	simm.s32 @!p0 $0x3;
	v8 =	vadd.s32 s0, v0;
	[sflag:s13] =	ssyncadd.s32 $0xFFFFB1E0  }
0x1f: {  	v9 =	vadd.s32 s0, v2;
	_ =	swait.ge @!p0 [sflag:s1], $0x1F40  }
0x20: {  	v10 =	vadd.s32 s0, v3;
	[sflag:s1] =	ssyncset.done @!p0 $0x0  }
0x21: {  	v11 =	vadd.s32 s0, v4;
	[sflag:s1] =	ssyncadd.s32 @!p0 $0xFFFFE0C0  }
0x22: {  	s11 =	simm.s32 $0x0;
	v12 =	vadd.s32 s0, v5;
	v19 =	vld.idx.msk [tilespmem:v7+s3+$0x0], $0xffff  }
0x23: {  	s18 =	simm.s32 $0x50;
	v13 =	vadd.s32 s11, v2;
	v8 =	vld.idx.msk [tilespmem:v8+s3+$0x0], $0xffff  }
0x24: {  	v14 =	vadd.s32 s18, v0;
	v9 =	vld.idx.msk [tilespmem:v9+s3+$0x0], $0xffff  }
0x25: {  	s22 =	simm.s32 $0xA0;
	v15 =	vadd.s32 s18, v2;
	v10 =	vld.idx.msk [tilespmem:v10+s3+$0x0], $0xffff  }
0x26: {  	v16 =	vadd.s32 s22, v0;
	v11 =	vld.idx.msk [tilespmem:v11+s3+$0x0], $0xffff  }
0x27: {  	s23 =	simm.s32 $0xF0;
	v17 =	vadd.s32 s22, v2;
	v12 =	vld.idx.msk [tilespmem:v12+s3+$0x0], $0xffff  }
0x28: {  	s24 =	simm.s32 $0x140;
	v18 =	vadd.s32 s23, v2;
	v13 =	vld.idx.msk [tilespmem:v13+s3+$0x0], $0xffff  }
0x29: {  	s28 =	simm.s32 $0x230;
	v21 =	vadd.s32 s24, v0;
	v14 =	vld.idx.msk [tilespmem:v14+s3+$0x0], $0xffff  }
0x2a: {  	v27 =	vadd.s32 s28, v0;
	v22 =	vld.idx.msk [tilespmem:v15+s3+$0x0], $0xffff  }
0x2b: {  	v29 =	vadd.s32 s11, v4;
	v23 =	vld.idx.msk [tilespmem:v16+s3+$0x0], $0xffff  }
0x2c: {  	v35 =	vadd.s32 s18, v4;
	v24 =	vld.idx.msk [tilespmem:v17+s3+$0x0], $0xffff  }
0x2d: {  	v40 =	vadd.s32 s22, v5;
	v26 =	vld.idx.msk [tilespmem:v18+s3+$0x0], $0xffff  }
0x2e: {  	v41 =	vadd.s32 s23, v3;
	v21 =	vld.idx.msk [tilespmem:v21+s3+$0x0], $0xffff  }
0x2f: {  	v42 =	vadd.s32 s23, v4;
	v34 =	vld.idx.msk [tilespmem:v27+s3+$0x0], $0xffff  }
0x30: {  	v7 =	vadd.s32 s11, v0;
	v47 =	vld.idx.msk [tilespmem:v29+s3+$0x0], $0xffff  }
0x31: {  	s25 =	simm.s32 $0x190;
	v15 =	vadd.s32 s24, v2;
	v35 =	vld.idx.msk [tilespmem:v35+s3+$0x0], $0xffff  }
0x32: {  	v16 =	vadd.s32 s25, v0;
	v40 =	vld.idx.msk [tilespmem:v40+s3+$0x0], $0xffff  }
0x33: {  	s26 =	simm.s32 $0x1E0;
	v17 =	vadd.s32 s25, v2;
	v61 =	vld.idx.msk [tilespmem:v41+s3+$0x0], $0xffff  }
0x34: {  	v18 =	vadd.s32 s26, v2;
	v41 =	vld.idx.msk [tilespmem:v42+s3+$0x0], $0xffff  }
0x35: {  	v27 =	vadd.s32 s18, v3;
	v20 =	vld.idx.msk [tilespmem:v7+s3+$0x0], $0xffff  }
0x36: {  	v37 =	vadd.s32 s22, v3;
	v28 =	vld.idx.msk [tilespmem:v15+s3+$0x0], $0xffff  }
0x37: {  	v7 =	vadd.s32 s23, v0;
	v30 =	vld.idx.msk [tilespmem:v16+s3+$0x0], $0xffff  }
0x38: {  	v15 =	vadd.s32 s28, v2;
	v31 =	vld.idx.msk [tilespmem:v17+s3+$0x0], $0xffff  }
0x39: {  	v16 =	vadd.s32 s21, v2;
	v33 =	vld.idx.msk [tilespmem:v18+s3+$0x0], $0xffff;
	v8 =	vmul.f32 v9, v8  }
0x3a: {  	v17 =	vadd.s32 s11, v3;
	v52 =	vld.idx.msk [tilespmem:v27+s3+$0x0], $0xffff  }
0x3b: {  	v18 =	vadd.s32 s11, v5;
	v8 =	vmul.f32 v10, v8;
	v10 =	vmul.f32 v12, v11;
	v12 =	vld.idx.msk [tilespmem:v37+s3+$0x0], $0xffff  }
0x3c: {  	v38 =	vadd.s32 s22, v4;
	v25 =	vld.idx.msk [tilespmem:v7+s3+$0x0], $0xffff  }
0x3d: {  	v62 =	vadd.s32 s21, v3;
	s22 =	simm.s32 $0x100;
	v7 =	vadd.s32 s26, v0;
	v36 =	vld.idx.msk [tilespmem:v15+s3+$0x0], $0xffff  }
0x3e: {  	v44 =	vadd.s32 s23, v5;
	v29 =	vor.u32 s22, v1;
	v15 =	vadd.s32 s18, v5;
	v39 =	vld.idx.msk [tilespmem:v16+s3+$0x0], $0xffff  }
0x3f: {  	v45 =	vadd.s32 s24, v3;
	v46 =	vadd.s32 s24, v4;
	v49 =	vor.u32 s22, v6;
	v43 =	vld.idx.msk [tilespmem:v17+s3+$0x0], $0xffff  }
0x40: {  	v48 =	vadd.s32 s24, v5;
	v50 =	vadd.s32 s25, v3;
	v51 =	vadd.s32 s25, v4;
	s23 =	simm.s32 $0x0;
	v9 =	vld.idx.msk [tilespmem:v18+s3+$0x0], $0xffff  }
0x41: {  	v53 =	vadd.s32 s25, v5;
	v11 =	vor.u32 s23, v1;
	v13 =	vmul.f32 v13, v20;
	v20 =	vld.idx.msk [tilespmem:v38+s3+$0x0], $0xffff  }
0x42: {  	s29 =	simm.s32 $0xA0;
	v54 =	vadd.s32 s26, v3;
	v55 =	vadd.s32 s26, v4;
	v37 =	vor.u32 s23, v6;
	v32 =	vld.idx.msk [tilespmem:v7+s3+$0x0], $0xffff  }
0x43: {  	v56 =	vadd.s32 s26, v5;
	v63 =	vor.u32 s29, v6;
	[tilespmem:v29+s14+$0x0] =	vst.idx.msk $0xffff, v8;
	v8 =	vmul.f32 v24, v23;
	v58 =	vld.idx.msk [tilespmem:v15+s3+$0x0], $0xffff  }
0x44: {  	s24 =	simm.s32 $0x20;
	s25 =	simm.s32 $0x40;
	[tilespmem:v49+s14+$0x0] =	vst.idx.msk $0xffff, v10;
	v23 =	vmul.f32 v26, v25;
	v13 =	vmul.f32 v43, v13;
	v25 =	vld.idx.msk [tilespmem:v44+s3+$0x0], $0xffff  }
0x45: {  	v59 =	vor.u32 s25, v1;
	v38 =	vor.u32 s24, v1;
	v9 =	vmul.f32 v9, v47;
	v44 =	vld.idx.msk [tilespmem:v45+s3+$0x0], $0xffff;
	[tilespmem:$0x1FFC0] =	vst v63  }
0x46: {  	s30 =	simm.s32 $0xC0;
	v14 =	vmul.f32 v22, v14;
	v22 =	vor.u32 s24, v6;
	v27 =	vor.u32 s29, v1;
	[tilespmem:v11+s14+$0x0] =	vst.idx.msk $0xffff, v13  }
0x47: {  	v57 =	vadd.s32 s28, v3;
	v18 =	vadd.s32 s28, v4;
	v47 =	vld.idx.msk [tilespmem:v48+s3+$0x0], $0xffff;
	v48 =	vor.u32 s30, v1;
	[tilespmem:v37+s14+$0x0] =	vst.idx.msk $0xffff, v9  }
0x48: {  	v17 =	vadd.s32 s28, v5;
	s28 =	simm.s32 $0x80;
	v49 =	vor.u32 s30, v6;
	v42 =	vld.idx.msk [tilespmem:v46+s3+$0x0], $0xffff;
	v13 =	vmul.f32 v52, v14;
	[tilespmem:$0x1FFD0] =	vst v48  }
0x49: {  	s31 =	simm.s32 $0xE0;
	v24 =	vor.u32 s25, v6;
	v21 =	vmul.f32 v28, v21;
	v43 =	vor.u32 s28, v1;
	[tilespmem:$0x1FFE0] =	vst v49  }
0x4a: {  	s26 =	simm.s32 $0x60;
	v12 =	vmul.f32 v12, v8;
	v8 =	vor.u32 s31, v1;
	v28 =	vmul.f32 v58, v35;
	[tilespmem:v38+s14+$0x0] =	vst.idx.msk $0xffff, v13  }
0x4b: {  	v16 =	vadd.s32 s21, v5;
	v30 =	vmul.f32 v31, v30;
	v60 =	vor.u32 s26, v1;
	v52 =	vld.idx.msk [tilespmem:v50+s3+$0x0], $0xffff;
	[tilespmem:$0x1FFF0] =	vst v8  }
0x4c: {  	v29 =	vor.u32 s28, v6;
	v7 =	vor.u32 s26, v6;
	v63 =	vmul.f32 v44, v21;
	[tilespmem:v22+s14+$0x0] =	vst.idx.msk $0xffff, v28;
	v22 =	vld.idx.msk [tilespmem:v51+s3+$0x0], $0xffff  }
0x4d: {  	v20 =	vmul.f32 v40, v20;
	[tilespmem:v59+s14+$0x0] =	vst.idx.msk $0xffff, v12;
	v28 =	vmul.f32 v61, v23;
	v23 =	vld.idx.msk [tilespmem:v53+s3+$0x0], $0xffff  }
0x4e: {  	v19 =	vmul.f32 v39, v19;
	v31 =	vmul.f32 v25, v41;
	v25 =	vld.idx.msk [tilespmem:v54+s3+$0x0], $0xffff;
	[tilespmem:v43+s14+$0x0] =	vst.idx.msk $0xffff, v63  }
0x4f: {  	v15 =	vadd.s32 s21, v4;
	s21 =	simm.s32 $0x120;
	v58 =	vor.u32 s31, v6;
	v21 =	vmul.f32 v36, v34;
	[tilespmem:v24+s14+$0x0] =	vst.idx.msk $0xffff, v20;
	v24 =	vld.idx.msk [tilespmem:v55+s3+$0x0], $0xffff  }
0x50: {  	v61 =	vor.u32 s21, v1;
	v59 =	vor.u32 s21, v6;
	v20 =	vmul.f32 v33, v32;
	[tilespmem:v60+s14+$0x0] =	vst.idx.msk $0xffff, v28;
	v28 =	vld.idx.msk [tilespmem:v56+s3+$0x0], $0xffff  }
0x51: {  	s22 =	simm.s32 $0x0;
	s23 =	simm.s32 $0x5F0;
	v33 =	vmul.f32 v47, v42;
	[tilespmem:v7+s14+$0x0] =	vst.idx.msk $0xffff, v31;
	v30 =	vmul.f32 v52, v30;
	v31 =	vld.idx.msk [tilespmem:v57+s3+$0x0], $0xffff  }
.LBB2_3:
0x52: {  	_ =	sdelay $0x1  }
0x53: {  	s0 =	sadd.s32 $0xFFFFFDD0, s23  }
0x54: {  	[tilespmem:v27+s14+$0x0] =	vst.idx.msk $0xffff, v30;
	v27 =	vld.idx.msk [tilespmem:v17+s3+$0x0], $0xffff;
	v17 =	vadd.s32 s0, v0  }
0x55: {  	v47 =	vadd.s32 s0, v2  }
0x56: {  	s28 =	sadd.s32 $0xFFFFFE70, s23  }
0x57: {  	[tilespmem:v29+s14+$0x0] =	vst.idx.msk $0xffff, v33;
	v14 =	vadd.s32 s28, v4  }
0x58: {  	v29 =	vld.idx.msk [tilespmem:v18+s3+$0x0], $0xffff;
	[tilespmem:$0x1FF90] =	vst v14;
	v14 =	vadd.s32 s28, v5  }
0x59: {  	[tilespmem:$0x1FFA0] =	vst v14;
	v14 =	vld.idx.msk [tilespmem:v17+s3+$0x0], $0xffff  }
0x5a: {  	v42 =	vld.idx.msk [tilespmem:v47+s3+$0x0], $0xffff;
	_ =	sdelay $0x3  }
0x5b: {  	s29 =	sadd.s32 $0xFFFFFD80, s23  }
0x5c: {  	s26 =	sadd.s32 $0xFFFFFEC0, s23;
	v18 =	vadd.s32 s29, v0;
	v14 =	vmul.f32 v42, v14;
	v42 =	vmul.f32 v27, v29;
	v27 =	vld [tilespmem:$0x1FFC0]  }
0x5d: {  	v56 =	vadd.s32 s26, v2  }
0x5e: {  	v55 =	vadd.s32 s26, v0;
	v48 =	vld.idx.msk [tilespmem:v62+s3+$0x0], $0xffff;
	_ =	sdelay $0x1  }
0x5f: {  	v35 =	vadd.s32 s29, v2  }
0x60: {  	v40 =	vld.idx.msk [tilespmem:v18+s3+$0x0], $0xffff  }
0x61: {  	v22 =	vmul.f32 v23, v22;
	v23 =	vmul.f32 v28, v24;
	v28 =	vld.idx.msk [tilespmem:v56+s3+$0x0], $0xffff  }
0x62: {  	s30 =	sadd.s32 $0xFFFFFFB0, s23;
	v19 =	vmul.f32 v48, v19;
	v48 =	vld.idx.msk [tilespmem:v55+s3+$0x0], $0xffff  }
0x63: {  	v8 =	vadd.s32 s23, v2;
	v38 =	vadd.s32 s30, v4;
	[tilespmem:v27+s14+$0x0] =	vst.idx.msk $0xffff, v22;
	v27 =	vld [tilespmem:$0x1FFD0]  }
0x64: {  	s25 =	sadd.s32 $0xFFFFFF10, s23;
	v54 =	vadd.s32 s28, v2;
	v35 =	vld.idx.msk [tilespmem:v35+s3+$0x0], $0xffff  }
0x65: {  	v51 =	vld.idx.msk [tilespmem:v15+s3+$0x0], $0xffff;
	v57 =	vadd.s32 s25, v0  }
0x66: {  	v52 =	vld.idx.msk [tilespmem:v16+s3+$0x0], $0xffff;
	[tilespmem:$0x1FF40] =	vst v8;
	v8 =	vmov v58;
	v58 =	vadd.s32 s25, v2  }
0x67: {  	s1 =	sadd.s32 $0xFFFFFE20, s23  }
0x68: {  	v49 =	vadd.s32 s1, v0;
	v20 =	vmul.f32 v25, v20;
	v10 =	vld.idx.msk [tilespmem:v38+s3+$0x0], $0xffff  }
0x69: {  	s21 =	sadd.s32 $0x140, s21;
	v50 =	vadd.s32 s1, v2;
	v21 =	vmul.f32 v31, v21;
	v31 =	vmul.f32 v35, v40;
	v35 =	vld.idx.msk [tilespmem:v54+s3+$0x0], $0xffff  }
0x6a: {  	v45 =	vadd.s32 s1, v3;
	v12 =	vadd.s32 s1, v5;
	v38 =	vadd.s32 s1, v4;
	s1 =	sadd.s32 $0xFFFFFF80, s21;
	v54 =	vld.idx.msk [tilespmem:v57+s3+$0x0], $0xffff  }
0x6b: {  	v22 =	vmul.f32 v52, v51;
	v52 =	vld.idx.msk [tilespmem:v58+s3+$0x0], $0xffff;
	[tilespmem:v27+s14+$0x0] =	vst.idx.msk $0xffff, v20;
	v20 =	vor.u32 s1, v6  }
0x6c: {  	[tilespmem:$0x1FFC0] =	vst v20;
	v20 =	vld [tilespmem:$0x1FFE0];
	_ =	sdelay $0x3  }
0x6d: {  	v32 =	vadd.s32 s23, v0  }
0x6e: {  	v34 =	vadd.s32 s23, v3  }
0x6f: {  	v43 =	vadd.s32 s30, v0;
	v36 =	vadd.s32 s30, v2;
	v7 =	vmov v34  }
0x70: {  	v13 =	vadd.s32 s29, v3;
	v26 =	vadd.s32 s29, v4;
	v34 =	vadd.s32 s29, v5;
	s29 =	sadd.s32 $0xFFFFFFA0, s21;
	[tilespmem:$0x1FF50] =	vst v7  }
0x71: {  	[tilespmem:v20+s14+$0x0] =	vst.idx.msk $0xffff, v23;
	v20 =	vor.u32 s29, v1  }
0x72: {  	v46 =	vadd.s32 s30, v3;
	v7 =	vld.idx.msk [tilespmem:v32+s3+$0x0], $0xffff;
	[tilespmem:$0x1FFD0] =	vst v20;
	v20 =	vor.u32 s29, v6  }
0x73: {  	s31 =	sadd.s32 $0xFFFFFD30, s23;
	v16 =	vadd.s32 s30, v5;
	[tilespmem:$0x1FFE0] =	vst v20;
	v20 =	vld [tilespmem:$0x1FFF0]  }
0x74: {  	s24 =	sadd.s32 $0xFFFFFF60, s23;
	v15 =	vadd.s32 s31, v0;
	v32 =	vld.idx.msk [tilespmem:v43+s3+$0x0], $0xffff  }
0x75: {  	v30 =	vmov v59;
	v59 =	vadd.s32 s24, v0;
	v39 =	vld.idx.msk [tilespmem:v36+s3+$0x0], $0xffff  }
0x76: {  	v60 =	vadd.s32 s24, v2  }
0x77: {  	[tilespmem:$0x1FF60] =	vst v7;
	v7 =	vld.idx.msk [tilespmem:v46+s3+$0x0], $0xffff  }
0x78: {  	v11 =	vadd.s32 s0, v5;
	s11 =	sadd.s32 $0xFFFFFFE0, s21;
	v16 =	vld.idx.msk [tilespmem:v16+s3+$0x0], $0xffff  }
0x79: {  	[tilespmem:$0x1FF70] =	vst v11;
	v11 =	vld.idx.msk [tilespmem:v15+s3+$0x0], $0xffff;
	v15 =	vor.u32 s11, v1  }
0x7a: {  	v53 =	vadd.s32 s28, v0;
	s18 =	sadd.s32 $0xFFFFFFC0, s21;
	v55 =	vld.idx.msk [tilespmem:v59+s3+$0x0], $0xffff;
	v18 =	vmul.f32 v39, v32;
	v32 =	vor.u32 s11, v6  }
0x7b: {  	v37 =	vadd.s32 s31, v2;
	v23 =	vld.idx.msk [tilespmem:v60+s3+$0x0], $0xffff;
	[tilespmem:v20+s14+$0x0] =	vst.idx.msk $0xffff, v21;
	v20 =	vor.u32 s18, v1  }
0x7c: {  	v41 =	vmul.f32 v7, v18;
	[tilespmem:$0x1FFF0] =	vst v20;
	v20 =	vld [tilespmem:$0x1FF40]  }
0x7d: {  	v10 =	vmul.f32 v16, v10  }
0x7e: {  	[tilespmem:v15+s14+$0x0] =	vst.idx.msk $0xffff, v41  }
0x7f: {  	[tilespmem:v32+s14+$0x0] =	vst.idx.msk $0xffff, v10;
	v32 =	vld.idx.msk [tilespmem:v53+s3+$0x0], $0xffff  }
0x80: {  	[tilespmem:$0x1FF80] =	vst v12;
	v12 =	vld.idx.msk [tilespmem:v37+s3+$0x0], $0xffff  }
0x81: {  	v9 =	vmov v61;
	v49 =	vld.idx.msk [tilespmem:v49+s3+$0x0], $0xffff  }
0x82: {  	v63 =	vadd.s32 s31, v5;
	[tilespmem:v8+s14+$0x0] =	vst.idx.msk $0xffff, v42;
	v8 =	vld.idx.msk [tilespmem:v13+s3+$0x0], $0xffff  }
0x83: {  	v13 =	vld [tilespmem:$0x1FF60]  }
0x84: {  	v32 =	vmul.f32 v35, v32;
	v35 =	vld.idx.msk [tilespmem:v20+s3+$0x0], $0xffff  }
0x85: {  	v62 =	vadd.s32 s31, v4;
	v26 =	vld.idx.msk [tilespmem:v26+s3+$0x0], $0xffff  }
0x86: {  	v11 =	vmul.f32 v12, v11;
	v12 =	vld.idx.msk [tilespmem:v50+s3+$0x0], $0xffff;
	[tilespmem:v9+s14+$0x0] =	vst.idx.msk $0xffff, v19  }
0x87: {  	[tilespmem:v30+s14+$0x0] =	vst.idx.msk $0xffff, v22;
	v22 =	vld.idx.msk [tilespmem:v63+s3+$0x0], $0xffff  }
0x88: {  	v61 =	vadd.s32 s31, v3;
	s7 =	sadd.s32 $0xFFFFFF00, s21;
	v63 =	vld.idx.msk [tilespmem:v34+s3+$0x0], $0xffff  }
0x89: {  	v44 =	vadd.s32 s0, v3;
	v25 =	vor.u32 s7, v1;
	v19 =	vmul.f32 v35, v13;
	v13 =	vld [tilespmem:$0x1FF70]  }
0x8a: {  	v43 =	vadd.s32 s0, v4;
	v48 =	vmul.f32 v28, v48;
	v28 =	vld.idx.msk [tilespmem:v62+s3+$0x0], $0xffff  }
0x8b: {  	v40 =	vor.u32 s7, v6;
	v62 =	vld [tilespmem:$0x1FF50];
	v21 =	vor.u32 s21, v6  }
0x8c: {  	v59 =	vmov v21;
	v21 =	vmul.f32 v23, v55;
	v55 =	vld [tilespmem:$0x1FF80];
	v8 =	vmul.f32 v8, v31  }
0x8d: {  	v42 =	vld.idx.msk [tilespmem:v61+s3+$0x0], $0xffff  }
0x8e: {  	v36 =	vadd.s32 s28, v3;
	v23 =	vld.idx.msk [tilespmem:v44+s3+$0x0], $0xffff;
	[tilespmem:v25+s14+$0x0] =	vst.idx.msk $0xffff, v8;
	v8 =	vmul.f32 v63, v26  }
0x8f: {  	v44 =	vld.idx.msk [tilespmem:v43+s3+$0x0], $0xffff  }
0x90: {  	v20 =	vor.u32 s21, v1;
	[tilespmem:v40+s14+$0x0] =	vst.idx.msk $0xffff, v8;
	v8 =	vld [tilespmem:$0x1FF90]  }
0x91: {  	v61 =	vmov v20;
	v20 =	vmul.f32 v52, v54;
	v52 =	vmul.f32 v22, v28;
	v22 =	vld.idx.msk [tilespmem:v13+s3+$0x0], $0xffff  }
0x92: {  	v13 =	vld [tilespmem:$0x1FFA0]  }
0x93: {  	v39 =	vadd.s32 s26, v5;
	v56 =	vmul.f32 v23, v14;
	v14 =	vld.idx.msk [tilespmem:v36+s3+$0x0], $0xffff  }
0x94: {  	s0 =	sadd.s32 $0xFFFFFEE0, s21;
	v9 =	vld.idx.msk [tilespmem:v55+s3+$0x0], $0xffff  }
0x95: {  	v17 =	vadd.s32 s25, v4;
	v41 =	vor.u32 s0, v1;
	v54 =	vld.idx.msk [tilespmem:v38+s3+$0x0], $0xffff  }
0x96: {  	s6 =	sadd.s32 $0xFFFFFF20, s21;
	v33 =	vadd.s32 s26, v3;
	[tilespmem:$0x1FFB0] =	vst v17;
	v10 =	vor.u32 s0, v6;
	v28 =	vld.idx.msk [tilespmem:v45+s3+$0x0], $0xffff  }
0x97: {  	s31 =	sadd.s32 $0xFFFFFF40, s21;
	v24 =	vor.u32 s6, v1;
	v7 =	vadd.s32 s24, v3;
	v63 =	vld [tilespmem:$0x1FFB0]  }
0x98: {  	v37 =	vadd.s32 s25, v3;
	v53 =	vor.u32 s31, v1;
	v11 =	vmul.f32 v42, v11;
	v23 =	vld.idx.msk [tilespmem:v39+s3+$0x0], $0xffff  }
0x99: {  	v47 =	vadd.s32 s25, v5;
	v12 =	vmul.f32 v12, v49;
	v49 =	vor.u32 s31, v6;
	v8 =	vld.idx.msk [tilespmem:v8+s3+$0x0], $0xffff  }
0x9a: {  	s22 =	sadd.s32 $0xA, s22;
	s30 =	sadd.s32 $0xFFFFFF60, s21;
	v50 =	vor.u32 s6, v6;
	[tilespmem:v41+s14+$0x0] =	vst.idx.msk $0xffff, v11;
	v26 =	vld.idx.msk [tilespmem:v13+s3+$0x0], $0xffff  }
0x9b: {  	p1 =	slt.u32 s22, $0xF0;
	v46 =	vadd.s32 s26, v4;
	v51 =	vor.u32 s30, v1;
	[tilespmem:v10+s14+$0x0] =	vst.idx.msk $0xffff, v52;
	v12 =	vmul.f32 v28, v12;
	v13 =	vld.idx.msk [tilespmem:v33+s3+$0x0], $0xffff  }
.Ltmp2:
0x9c: {  	v17 =	vadd.s32 s24, v5;
	v31 =	vld.idx.msk [tilespmem:v7+s3+$0x0], $0xffff;
	v9 =	vmul.f32 v9, v54;
	[tilespmem:v24+s14+$0x0] =	vst.idx.msk $0xffff, v56;
	(pc) =	sbr.rel @p1 .LBB2_3-.Ltmp2, $4  }
0x9d: {  	v16 =	vadd.s32 s23, v5;
	v29 =	vor.u32 s30, v6;
	v25 =	vld.idx.msk [tilespmem:v37+s3+$0x0], $0xffff;
	[tilespmem:v53+s14+$0x0] =	vst.idx.msk $0xffff, v12;
	v57 =	vmul.f32 v22, v44  }
0x9e: {  	v18 =	vadd.s32 s24, v4;
	v15 =	vadd.s32 s23, v4;
	v60 =	vmul.f32 v14, v32;
	v28 =	vld.idx.msk [tilespmem:v47+s3+$0x0], $0xffff;
	[tilespmem:v49+s14+$0x0] =	vst.idx.msk $0xffff, v9  }
0x9f: {  	v58 =	vor.u32 s18, v6;
	v27 =	vor.u32 s1, v1;
	v24 =	vld.idx.msk [tilespmem:v63+s3+$0x0], $0xffff;
	[tilespmem:v50+s14+$0x0] =	vst.idx.msk $0xffff, v57  }
0xa0: {  	s23 =	sadd.s32 $0x320, s23;
	v22 =	vld.idx.msk [tilespmem:v46+s3+$0x0], $0xffff;
	[tilespmem:v51+s14+$0x0] =	vst.idx.msk $0xffff, v60;
	v33 =	vmul.f32 v26, v8;
	v30 =	vmul.f32 v13, v48  }
0xa1: {  	_ =	sdelay $0x3  }
0xa2: {  	[tilespmem:v29+s14+$0x0] =	vst.idx.msk $0xffff, v33  }
0xa3: {  	[tilespmem:v27+s14+$0x0] =	vst.idx.msk $0xffff, v30  }
0xa4: {  	v57 =	vld [tilespmem:$0x1FFC0];
	_ =	sdelay $0x5  }
0xa5: {  	v11 =	vmul.f32 v23, v22;
	_ =	sdelay $0x1  }
0xa6: {  	v10 =	vld.idx.msk [tilespmem:v15+s3+$0x0], $0xffff;
	[tilespmem:v57+s14+$0x0] =	vst.idx.msk $0xffff, v11  }
0xa7: {  	v15 =	vld [tilespmem:$0x1FFD0];
	_ =	sdelay $0x2  }
0xa8: {  	v7 =	vld.idx.msk [tilespmem:v18+s3+$0x0], $0xffff  }
0xa9: {  	v8 =	vld.idx.msk [tilespmem:v17+s3+$0x0], $0xffff;
	_ =	sdelay $0x1  }
0xaa: {  	v13 =	vmul.f32 v25, v20;
	_ =	sdelay $0x1  }
0xab: {  	[tilespmem:v15+s14+$0x0] =	vst.idx.msk $0xffff, v13  }
0xac: {  	v7 =	vmul.f32 v8, v7;
	v8 =	vld [tilespmem:$0x1FFE0];
	_ =	sdelay $0x5  }
0xad: {  	v14 =	vmul.f32 v28, v24  }
0xae: {  	v9 =	vld.idx.msk [tilespmem:v62+s3+$0x0], $0xffff  }
0xaf: {  	v12 =	vld.idx.msk [tilespmem:v16+s3+$0x0], $0xffff;
	[tilespmem:v8+s14+$0x0] =	vst.idx.msk $0xffff, v14  }
0xb0: {  	v62 =	vld [tilespmem:$0x1FFF0];
	_ =	sdelay $0x3  }
0xb1: {  	v8 =	vmul.f32 v9, v19  }
0xb2: {  	s21 =	smul.u32 $0x3E80, s20;
	p1 =	sne.s32 s20, $0x18;
	v63 =	vmul.f32 v12, v10  }
.Ltmp3:
0xb3: {  	v60 =	vmul.f32 v31, v21;
	[tilespmem:v61+s14+$0x0] =	vst.idx.msk $0xffff, v8;
	(pc) =	sbr.rel @p1 .LBB2_6-.Ltmp3, $4  }
0xb4: {  	s0 =	sadd.s32 s5, s21;
	[tilespmem:v59+s14+$0x0] =	vst.idx.msk $0xffff, v63  }
0xb5: {  	s0 =	sshrl.u32 s0, $0x3;
	[tilespmem:v62+s14+$0x0] =	vst.idx.msk $0xffff, v60  }
0xb6: {  	s0 =	sadd.s32 s2, s0;
	[tilespmem:v58+s14+$0x0] =	vst.idx.msk $0xffff, v7  }
0xb7: {  	[hbm4b:s0+s3] =	stream.linear.scatter [tilespmem:s14], [sflag:$0x3], $0x1F40, $0x38;
	[tilespmem:$0xDC00] =	vst v63  }
.Ltmp4:
0xb8: {  	(pc) =	sbr.rel .LBB2_7-.Ltmp4, $4  }
0xb9: {  	_ = 	snop  }
0xba: {  	_ =	swait.ge [sflag:s15], $0x4E20  }
0xbb: {  	[sflag:s15] =	ssyncset.done $0x0  }
0xbc: {  	[sflag:s15] =	ssyncadd.s32 $0xFFFFB1E0  }
.LBB2_6:
0xbd: {  	s0 =	smul.u32 $0x9C40, s20;
	_ =	sdelay $0x1  }
0xbe: {  	s0 =	sadd.s32 s0, s8  }
0xbf: {  	s0 =	sshrl.u32 s0, $0x3  }
.Ltmp5:
0xc0: {  	s0 =	sadd.s32 s4, s0;
	(pc) =	sbr.rel @p0 .LBB2_8-.Ltmp5, $4  }
0xc1: {  	[tilespmem:s3], [sflag:$0x1] =	stream.linear.gather [hbm4b:s0+s3], $0x4E20, $0x38;
	[tilespmem:$0xDC00] =	vst v63  }
0xc2: {  	_ =	swait.ge [sflag:s15], $0x4E20  }
0xc3: {  	[sflag:s15] =	ssyncset.done $0x0  }
0xc4: {  	[sflag:s15] =	ssyncadd.s32 $0xFFFFB1E0  }
.LBB2_7:
0xc5: {  	_ =	swait.ge [sflag:s16], $0x1F40  }
0xc6: {  	[sflag:s16] =	ssyncset.done $0x0  }
0xc7: {  	[sflag:s16] =	ssyncadd.s32 $0xFFFFE0C0  }
.LBB2_8:
0xc8: {  	s22 =	simm.s32 $0x2D0  }
0xc9: {  	s0 =	simm.s32 $0x280;
	v7 =	vadd.s32 s22, v0  }
0xca: {  	v8 =	vadd.s32 s0, v0  }
0xcb: {  	v9 =	vadd.s32 s0, v2  }
0xcc: {  	v10 =	vadd.s32 s0, v3  }
0xcd: {  	v11 =	vadd.s32 s0, v4  }
0xce: {  	s1 =	simm.s32 $0x0;
	v12 =	vadd.s32 s0, v5;
	v20 =	vld.idx.msk [tilespmem:v7+s12+$0x0], $0xffff  }
0xcf: {  	s31 =	simm.s32 $0x50;
	v13 =	vadd.s32 s1, v2;
	v8 =	vld.idx.msk [tilespmem:v8+s12+$0x0], $0xffff  }
0xd0: {  	v14 =	vadd.s32 s31, v0;
	v9 =	vld.idx.msk [tilespmem:v9+s12+$0x0], $0xffff  }
0xd1: {  	s6 =	simm.s32 $0xA0;
	v15 =	vadd.s32 s31, v2;
	v10 =	vld.idx.msk [tilespmem:v10+s12+$0x0], $0xffff  }
0xd2: {  	v16 =	vadd.s32 s6, v0;
	v11 =	vld.idx.msk [tilespmem:v11+s12+$0x0], $0xffff  }
0xd3: {  	s7 =	simm.s32 $0xF0;
	v17 =	vadd.s32 s6, v2;
	v12 =	vld.idx.msk [tilespmem:v12+s12+$0x0], $0xffff  }
0xd4: {  	s11 =	simm.s32 $0x140;
	v18 =	vadd.s32 s7, v2;
	v13 =	vld.idx.msk [tilespmem:v13+s12+$0x0], $0xffff  }
0xd5: {  	s25 =	simm.s32 $0x230;
	v21 =	vadd.s32 s11, v0;
	v14 =	vld.idx.msk [tilespmem:v14+s12+$0x0], $0xffff  }
0xd6: {  	v27 =	vadd.s32 s25, v0;
	v22 =	vld.idx.msk [tilespmem:v15+s12+$0x0], $0xffff  }
0xd7: {  	v29 =	vadd.s32 s1, v4;
	v23 =	vld.idx.msk [tilespmem:v16+s12+$0x0], $0xffff  }
0xd8: {  	v35 =	vadd.s32 s31, v4;
	v24 =	vld.idx.msk [tilespmem:v17+s12+$0x0], $0xffff  }
0xd9: {  	v40 =	vadd.s32 s6, v5;
	v26 =	vld.idx.msk [tilespmem:v18+s12+$0x0], $0xffff  }
0xda: {  	v41 =	vadd.s32 s7, v3;
	v21 =	vld.idx.msk [tilespmem:v21+s12+$0x0], $0xffff  }
0xdb: {  	v42 =	vadd.s32 s7, v4;
	v34 =	vld.idx.msk [tilespmem:v27+s12+$0x0], $0xffff  }
0xdc: {  	v45 =	vadd.s32 s11, v3;
	v47 =	vld.idx.msk [tilespmem:v29+s12+$0x0], $0xffff  }
0xdd: {  	v7 =	vadd.s32 s1, v0;
	v35 =	vld.idx.msk [tilespmem:v35+s12+$0x0], $0xffff  }
0xde: {  	s23 =	simm.s32 $0x190;
	v15 =	vadd.s32 s11, v2;
	v40 =	vld.idx.msk [tilespmem:v40+s12+$0x0], $0xffff  }
0xdf: {  	v16 =	vadd.s32 s23, v0;
	v41 =	vld.idx.msk [tilespmem:v41+s12+$0x0], $0xffff  }
0xe0: {  	s24 =	simm.s32 $0x1E0;
	v17 =	vadd.s32 s23, v2;
	v61 =	vld.idx.msk [tilespmem:v42+s12+$0x0], $0xffff  }
0xe1: {  	v18 =	vadd.s32 s24, v2;
	v63 =	vld.idx.msk [tilespmem:v45+s12+$0x0], $0xffff  }
0xe2: {  	v27 =	vadd.s32 s31, v3;
	v19 =	vld.idx.msk [tilespmem:v7+s12+$0x0], $0xffff  }
0xe3: {  	v37 =	vadd.s32 s6, v3;
	v28 =	vld.idx.msk [tilespmem:v15+s12+$0x0], $0xffff  }
0xe4: {  	v7 =	vadd.s32 s7, v0;
	v30 =	vld.idx.msk [tilespmem:v16+s12+$0x0], $0xffff  }
0xe5: {  	v15 =	vadd.s32 s25, v2;
	v31 =	vld.idx.msk [tilespmem:v17+s12+$0x0], $0xffff  }
0xe6: {  	v17 =	vadd.s32 s1, v3;
	v33 =	vld.idx.msk [tilespmem:v18+s12+$0x0], $0xffff  }
0xe7: {  	v18 =	vadd.s32 s1, v5;
	v52 =	vld.idx.msk [tilespmem:v27+s12+$0x0], $0xffff  }
0xe8: {  	v38 =	vadd.s32 s6, v4;
	v16 =	vadd.s32 s22, v2;
	v11 =	vmul.f32 v12, v11;
	v12 =	vld.idx.msk [tilespmem:v37+s12+$0x0], $0xffff  }
0xe9: {  	s18 =	simm.s32 $0x100;
	v44 =	vadd.s32 s7, v5;
	v46 =	vadd.s32 s11, v4;
	v48 =	vadd.s32 s11, v5;
	v25 =	vld.idx.msk [tilespmem:v7+s12+$0x0], $0xffff  }
0xea: {  	v49 =	vor.u32 s18, v6;
	v29 =	vor.u32 s18, v1;
	v7 =	vadd.s32 s24, v0;
	v36 =	vld.idx.msk [tilespmem:v15+s12+$0x0], $0xffff  }
0xeb: {  	v50 =	vadd.s32 s23, v3;
	v8 =	vmul.f32 v9, v8;
	v15 =	vadd.s32 s31, v5;
	v43 =	vld.idx.msk [tilespmem:v17+s12+$0x0], $0xffff  }
0xec: {  	v51 =	vadd.s32 s23, v4;
	v53 =	vadd.s32 s23, v5;
	v54 =	vadd.s32 s24, v3;
	s23 =	simm.s32 $0x0;
	v9 =	vld.idx.msk [tilespmem:v18+s12+$0x0], $0xffff  }
0xed: {  	v55 =	vadd.s32 s24, v4;
	v37 =	vor.u32 s23, v1;
	v8 =	vmul.f32 v10, v8;
	v39 =	vld.idx.msk [tilespmem:v16+s12+$0x0], $0xffff  }
0xee: {  	s29 =	simm.s32 $0xA0;
	v56 =	vadd.s32 s24, v5;
	v13 =	vmul.f32 v13, v19;
	v19 =	vld.idx.msk [tilespmem:v38+s12+$0x0], $0xffff;
	v38 =	vor.u32 s23, v6  }
0xef: {  	v57 =	vadd.s32 s25, v3;
	v45 =	vor.u32 s29, v6;
	[tilespmem:v29+s17+$0x0] =	vst.idx.msk $0xffff, v8;
	v32 =	vld.idx.msk [tilespmem:v7+s12+$0x0], $0xffff  }
0xf0: {  	v8 =	vmul.f32 v24, v23;
	s24 =	simm.s32 $0x20;
	[tilespmem:v49+s17+$0x0] =	vst.idx.msk $0xffff, v11;
	v10 =	vld.idx.msk [tilespmem:v15+s12+$0x0], $0xffff;
	v13 =	vmul.f32 v43, v13  }
0xf1: {  	v58 =	vor.u32 s24, v1;
	v23 =	vmul.f32 v26, v25;
	v25 =	vld.idx.msk [tilespmem:v44+s12+$0x0], $0xffff;
	v49 =	vmul.f32 v9, v47;
	[tilespmem:$0x1FEF0] =	vst v45  }
0xf2: {  	s30 =	simm.s32 $0xC0;
	v14 =	vmul.f32 v22, v14;
	v18 =	vadd.s32 s25, v4;
	v17 =	vadd.s32 s25, v5;
	[tilespmem:v37+s17+$0x0] =	vst.idx.msk $0xffff, v13  }
0xf3: {  	s25 =	simm.s32 $0x40;
	v22 =	vor.u32 s24, v6;
	v47 =	vld.idx.msk [tilespmem:v48+s12+$0x0], $0xffff;
	v48 =	vor.u32 s30, v1;
	[tilespmem:v38+s17+$0x0] =	vst.idx.msk $0xffff, v49  }
0xf4: {  	v59 =	vor.u32 s25, v1;
	v46 =	vld.idx.msk [tilespmem:v46+s12+$0x0], $0xffff;
	v13 =	vmul.f32 v52, v14;
	v49 =	vor.u32 s30, v6;
	[tilespmem:$0x1FF00] =	vst v48  }
0xf5: {  	v21 =	vmul.f32 v28, v21;
	s31 =	simm.s32 $0xE0;
	v24 =	vor.u32 s25, v6;
	[tilespmem:$0x1FF10] =	vst v49  }
0xf6: {  	s26 =	simm.s32 $0x60;
	v12 =	vmul.f32 v12, v8;
	v8 =	vor.u32 s31, v1;
	v28 =	vmul.f32 v10, v35;
	[tilespmem:v58+s17+$0x0] =	vst.idx.msk $0xffff, v13  }
0xf7: {  	s28 =	simm.s32 $0x80;
	v62 =	vadd.s32 s22, v3;
	v60 =	vor.u32 s26, v1;
	v27 =	vor.u32 s29, v1;
	v52 =	vld.idx.msk [tilespmem:v50+s12+$0x0], $0xffff;
	[tilespmem:$0x1FF20] =	vst v8  }
0xf8: {  	v16 =	vadd.s32 s22, v5;
	v15 =	vadd.s32 s22, v4;
	v43 =	vor.u32 s28, v1;
	s22 =	simm.s32 $0x120;
	[tilespmem:v22+s17+$0x0] =	vst.idx.msk $0xffff, v28  }
0xf9: {  	v7 =	vor.u32 s26, v6;
	v19 =	vmul.f32 v40, v19;
	v8 =	vor.u32 s22, v1;
	v22 =	vld.idx.msk [tilespmem:v51+s12+$0x0], $0xffff;
	[tilespmem:v59+s17+$0x0] =	vst.idx.msk $0xffff, v12  }
0xfa: {  	v29 =	vor.u32 s28, v6;
	v30 =	vmul.f32 v31, v30;
	v28 =	vmul.f32 v41, v23;
	v23 =	vld.idx.msk [tilespmem:v53+s12+$0x0], $0xffff;
	[tilespmem:$0x1FF30] =	vst v8  }
0xfb: {  	v63 =	vmul.f32 v63, v21;
	v31 =	vmul.f32 v25, v61;
	[tilespmem:v24+s17+$0x0] =	vst.idx.msk $0xffff, v19;
	v25 =	vld.idx.msk [tilespmem:v54+s12+$0x0], $0xffff  }
0xfc: {  	v21 =	vmul.f32 v36, v34;
	v20 =	vmul.f32 v39, v20;
	[tilespmem:v60+s17+$0x0] =	vst.idx.msk $0xffff, v28;
	v24 =	vld.idx.msk [tilespmem:v55+s12+$0x0], $0xffff  }
0xfd: {  	v58 =	vor.u32 s31, v6;
	v59 =	vor.u32 s22, v6;
	v19 =	vmul.f32 v33, v32;
	v28 =	vld.idx.msk [tilespmem:v56+s12+$0x0], $0xffff;
	[tilespmem:v43+s17+$0x0] =	vst.idx.msk $0xffff, v63  }
0xfe: {  	s23 =	simm.s32 $0x0;
	s24 =	simm.s32 $0x5F0;
	v33 =	vmul.f32 v47, v46;
	[tilespmem:v7+s17+$0x0] =	vst.idx.msk $0xffff, v31;
	v30 =	vmul.f32 v52, v30;
	v31 =	vld.idx.msk [tilespmem:v57+s12+$0x0], $0xffff  }
.LBB2_9:
0xff: {  	_ =	sdelay $0x1  }
0x100: {  	s0 =	sadd.s32 $0xFFFFFDD0, s24  }
0x101: {  	[tilespmem:v27+s17+$0x0] =	vst.idx.msk $0xffff, v30;
	v27 =	vld.idx.msk [tilespmem:v17+s12+$0x0], $0xffff;
	v17 =	vadd.s32 s0, v0  }
0x102: {  	v47 =	vadd.s32 s0, v2;
	_ =	sdelay $0x1  }
0x103: {  	s29 =	sadd.s32 $0xFFFFFE70, s24  }
0x104: {  	s26 =	sadd.s32 $0xFFFFFF10, s24;
	[tilespmem:v29+s17+$0x0] =	vst.idx.msk $0xffff, v33;
	v29 =	vld.idx.msk [tilespmem:v18+s12+$0x0], $0xffff;
	v14 =	vadd.s32 s29, v4  }
0x105: {  	[tilespmem:$0x1FED0] =	vst v14;
	v14 =	vadd.s32 s26, v4;
	v41 =	vld.idx.msk [tilespmem:v17+s12+$0x0], $0xffff  }
0x106: {  	[tilespmem:$0x1FEE0] =	vst v14;
	v14 =	vld.idx.msk [tilespmem:v47+s12+$0x0], $0xffff;
	_ =	sdelay $0x3  }
0x107: {  	s6 =	sadd.s32 $0xFFFFFD80, s24  }
0x108: {  	s28 =	sadd.s32 $0xFFFFFEC0, s24;
	v18 =	vadd.s32 s6, v0;
	v14 =	vmul.f32 v14, v41;
	v41 =	vmul.f32 v27, v29;
	v27 =	vld [tilespmem:$0x1FEF0]  }
0x109: {  	v56 =	vadd.s32 s28, v2  }
0x10a: {  	v55 =	vadd.s32 s28, v0;
	v48 =	vld.idx.msk [tilespmem:v62+s12+$0x0], $0xffff;
	_ =	sdelay $0x1  }
0x10b: {  	v35 =	vadd.s32 s6, v2  }
0x10c: {  	v40 =	vld.idx.msk [tilespmem:v18+s12+$0x0], $0xffff  }
0x10d: {  	v22 =	vmul.f32 v23, v22;
	v23 =	vmul.f32 v28, v24;
	v28 =	vld.idx.msk [tilespmem:v56+s12+$0x0], $0xffff  }
0x10e: {  	s7 =	sadd.s32 $0xFFFFFFB0, s24;
	v32 =	vadd.s32 s24, v0;
	v20 =	vmul.f32 v48, v20;
	v48 =	vld.idx.msk [tilespmem:v55+s12+$0x0], $0xffff  }
0x10f: {  	v8 =	vadd.s32 s24, v2;
	v43 =	vadd.s32 s7, v0;
	[tilespmem:v27+s17+$0x0] =	vst.idx.msk $0xffff, v22;
	v27 =	vld [tilespmem:$0x1FF00]  }
0x110: {  	v54 =	vadd.s32 s29, v2;
	v35 =	vld.idx.msk [tilespmem:v35+s12+$0x0], $0xffff  }
0x111: {  	v34 =	vadd.s32 s24, v3;
	v51 =	vld.idx.msk [tilespmem:v15+s12+$0x0], $0xffff;
	v57 =	vadd.s32 s26, v0  }
0x112: {  	v52 =	vld.idx.msk [tilespmem:v16+s12+$0x0], $0xffff;
	[tilespmem:$0x1FE80] =	vst v8;
	v7 =	vmov v34;
	v8 =	vmov v58;
	v58 =	vadd.s32 s26, v2  }
0x113: {  	[tilespmem:$0x1FE90] =	vst v7;
	v7 =	vld.idx.msk [tilespmem:v32+s12+$0x0], $0xffff  }
0x114: {  	v19 =	vmul.f32 v25, v19;
	v32 =	vld.idx.msk [tilespmem:v43+s12+$0x0], $0xffff  }
0x115: {  	s22 =	sadd.s32 $0x140, s22;
	v21 =	vmul.f32 v31, v21;
	v31 =	vmul.f32 v35, v40;
	v35 =	vld.idx.msk [tilespmem:v54+s12+$0x0], $0xffff  }
0x116: {  	v44 =	vadd.s32 s0, v3;
	v11 =	vadd.s32 s0, v5;
	v43 =	vadd.s32 s0, v4;
	s0 =	sadd.s32 $0xFFFFFF80, s22;
	v54 =	vld.idx.msk [tilespmem:v57+s12+$0x0], $0xffff  }
0x117: {  	v22 =	vmul.f32 v52, v51;
	v52 =	vld.idx.msk [tilespmem:v58+s12+$0x0], $0xffff;
	[tilespmem:v27+s17+$0x0] =	vst.idx.msk $0xffff, v19;
	v19 =	vor.u32 s0, v6  }
0x118: {  	[tilespmem:$0x1FEF0] =	vst v19;
	v19 =	vld [tilespmem:$0x1FF10];
	_ =	sdelay $0x5  }
0x119: {  	v36 =	vadd.s32 s7, v2  }
0x11a: {  	v38 =	vadd.s32 s7, v4;
	s30 =	sadd.s32 $0xFFFFFFA0, s22  }
0x11b: {  	s11 =	sadd.s32 $0xFFFFFD30, s24;
	v16 =	vadd.s32 s7, v5;
	[tilespmem:v19+s17+$0x0] =	vst.idx.msk $0xffff, v23;
	v19 =	vor.u32 s30, v1  }
0x11c: {  	v15 =	vadd.s32 s11, v0;
	[tilespmem:$0x1FF00] =	vst v19;
	v19 =	vor.u32 s30, v6  }
0x11d: {  	v46 =	vadd.s32 s7, v3;
	[tilespmem:$0x1FF10] =	vst v19;
	v19 =	vld [tilespmem:$0x1FF20]  }
0x11e: {  	s25 =	sadd.s32 $0xFFFFFF60, s24;
	v37 =	vadd.s32 s11, v2;
	v39 =	vld.idx.msk [tilespmem:v36+s12+$0x0], $0xffff  }
0x11f: {  	v13 =	vmov v59;
	v59 =	vadd.s32 s25, v0;
	v10 =	vld.idx.msk [tilespmem:v38+s12+$0x0], $0xffff  }
0x120: {  	s1 =	sadd.s32 $0xFFFFFE20, s24;
	v60 =	vadd.s32 s25, v2;
	v16 =	vld.idx.msk [tilespmem:v16+s12+$0x0], $0xffff  }
0x121: {  	v49 =	vadd.s32 s1, v0;
	[tilespmem:$0x1FEB0] =	vst v11;
	v11 =	vld.idx.msk [tilespmem:v15+s12+$0x0], $0xffff  }
0x122: {  	v53 =	vadd.s32 s29, v0;
	v61 =	vadd.s32 s11, v3;
	v12 =	vadd.s32 s1, v5;
	[tilespmem:$0x1FEA0] =	vst v7;
	v7 =	vld.idx.msk [tilespmem:v46+s12+$0x0], $0xffff  }
0x123: {  	v63 =	vadd.s32 s11, v5;
	v26 =	vadd.s32 s6, v4;
	[tilespmem:$0x1FEC0] =	vst v12;
	v62 =	vadd.s32 s11, v4;
	s11 =	sadd.s32 $0xFFFFFFE0, s22;
	v12 =	vld.idx.msk [tilespmem:v37+s12+$0x0], $0xffff  }
0x124: {  	v36 =	vadd.s32 s29, v3;
	v15 =	vor.u32 s11, v1;
	v38 =	vadd.s32 s29, v5;
	s29 =	sadd.s32 $0xFFFFFFC0, s22;
	v55 =	vld.idx.msk [tilespmem:v59+s12+$0x0], $0xffff  }
0x125: {  	v18 =	vmul.f32 v39, v32;
	v32 =	vor.u32 s11, v6;
	v23 =	vld.idx.msk [tilespmem:v60+s12+$0x0], $0xffff;
	[tilespmem:v19+s17+$0x0] =	vst.idx.msk $0xffff, v21;
	v19 =	vor.u32 s29, v1  }
0x126: {  	[tilespmem:$0x1FF20] =	vst v19;
	v19 =	vld [tilespmem:$0x1FE80]  }
0x127: {  	v50 =	vadd.s32 s1, v2;
	v42 =	vmul.f32 v7, v18;
	[tilespmem:v8+s17+$0x0] =	vst.idx.msk $0xffff, v41;
	v8 =	vld [tilespmem:$0x1FF30]  }
0x128: {  	v49 =	vld.idx.msk [tilespmem:v49+s12+$0x0], $0xffff;
	v10 =	vmul.f32 v16, v10  }
0x129: {  	v26 =	vld.idx.msk [tilespmem:v26+s12+$0x0], $0xffff;
	[tilespmem:v15+s17+$0x0] =	vst.idx.msk $0xffff, v42  }
0x12a: {  	[tilespmem:v32+s17+$0x0] =	vst.idx.msk $0xffff, v10;
	v32 =	vld.idx.msk [tilespmem:v53+s12+$0x0], $0xffff  }
0x12b: {  	v56 =	vld [tilespmem:$0x1FEC0]  }
0x12c: {  	v9 =	vadd.s32 s6, v3;
	v11 =	vmul.f32 v12, v11;
	v12 =	vld.idx.msk [tilespmem:v50+s12+$0x0], $0xffff  }
0x12d: {  	v33 =	vadd.s32 s6, v5;
	v48 =	vmul.f32 v28, v48;
	v28 =	vld.idx.msk [tilespmem:v62+s12+$0x0], $0xffff;
	v21 =	vor.u32 s22, v6  }
0x12e: {  	v59 =	vmov v21;
	v21 =	vmul.f32 v23, v55;
	v23 =	vld.idx.msk [tilespmem:v44+s12+$0x0], $0xffff  }
0x12f: {  	v32 =	vmul.f32 v35, v32;
	v35 =	vld.idx.msk [tilespmem:v19+s12+$0x0], $0xffff;
	v19 =	vor.u32 s22, v1;
	[tilespmem:v8+s17+$0x0] =	vst.idx.msk $0xffff, v20  }
0x130: {  	v8 =	vmov v19;
	[tilespmem:v13+s17+$0x0] =	vst.idx.msk $0xffff, v22;
	v22 =	vld.idx.msk [tilespmem:v63+s12+$0x0], $0xffff  }
0x131: {  	v34 =	vadd.s32 s1, v4;
	[tilespmem:$0x1FF30] =	vst v8;
	v8 =	vld.idx.msk [tilespmem:v9+s12+$0x0], $0xffff  }
0x132: {  	s7 =	sadd.s32 $0xFFFFFF00, s22;
	v63 =	vld.idx.msk [tilespmem:v33+s12+$0x0], $0xffff  }
0x133: {  	v25 =	vor.u32 s7, v1;
	v13 =	vld [tilespmem:$0x1FEA0]  }
0x134: {  	v39 =	vadd.s32 s28, v5;
	v62 =	vld [tilespmem:$0x1FE90]  }
0x135: {  	v40 =	vor.u32 s7, v6;
	v41 =	vld.idx.msk [tilespmem:v61+s12+$0x0], $0xffff  }
0x136: {  	v55 =	vld.idx.msk [tilespmem:v34+s12+$0x0], $0xffff;
	v8 =	vmul.f32 v8, v31  }
0x137: {  	v45 =	vadd.s32 s1, v3;
	v57 =	vmul.f32 v23, v14;
	v14 =	vld.idx.msk [tilespmem:v36+s12+$0x0], $0xffff  }
0x138: {  	v20 =	vmul.f32 v35, v13;
	v13 =	vld [tilespmem:$0x1FEB0];
	[tilespmem:v25+s17+$0x0] =	vst.idx.msk $0xffff, v8;
	v8 =	vmul.f32 v63, v26  }
0x139: {  	v23 =	vld.idx.msk [tilespmem:v39+s12+$0x0], $0xffff  }
0x13a: {  	[tilespmem:v40+s17+$0x0] =	vst.idx.msk $0xffff, v8;
	v8 =	vld [tilespmem:$0x1FED0]  }
0x13b: {  	s6 =	sadd.s32 $0xFFFFFEE0, s22;
	v19 =	vmul.f32 v52, v54;
	v52 =	vld.idx.msk [tilespmem:v43+s12+$0x0], $0xffff  }
0x13c: {  	v30 =	vadd.s32 s28, v3;
	v42 =	vor.u32 s6, v1;
	v54 =	vmul.f32 v22, v28;
	v28 =	vld.idx.msk [tilespmem:v45+s12+$0x0], $0xffff  }
0x13d: {  	s18 =	sadd.s32 $0xFFFFFF20, s22;
	s1 =	sadd.s32 $0xFFFFFF40, s22;
	v10 =	vor.u32 s6, v6;
	v9 =	vld.idx.msk [tilespmem:v56+s12+$0x0], $0xffff  }
0x13e: {  	v24 =	vor.u32 s18, v1;
	v7 =	vadd.s32 s25, v3;
	v53 =	vor.u32 s1, v1;
	v63 =	vld [tilespmem:$0x1FEE0]  }
0x13f: {  	v37 =	vadd.s32 s26, v3;
	v12 =	vmul.f32 v12, v49;
	v11 =	vmul.f32 v41, v11;
	v26 =	vld.idx.msk [tilespmem:v38+s12+$0x0], $0xffff  }
0x140: {  	s31 =	sadd.s32 $0xFFFFFF60, s22;
	v47 =	vadd.s32 s26, v5;
	v49 =	vor.u32 s1, v6;
	v22 =	vld.idx.msk [tilespmem:v13+s12+$0x0], $0xffff  }
0x141: {  	s23 =	sadd.s32 $0xA, s23;
	v51 =	vor.u32 s31, v1;
	[tilespmem:v42+s17+$0x0] =	vst.idx.msk $0xffff, v11;
	v12 =	vmul.f32 v28, v12;
	v13 =	vld.idx.msk [tilespmem:v30+s12+$0x0], $0xffff  }
0x142: {  	p0 =	slt.u32 s23, $0xF0;
	v46 =	vadd.s32 s28, v4;
	v50 =	vor.u32 s18, v6;
	[tilespmem:v10+s17+$0x0] =	vst.idx.msk $0xffff, v54;
	v8 =	vld.idx.msk [tilespmem:v8+s12+$0x0], $0xffff  }
.Ltmp6:
0x143: {  	v17 =	vadd.s32 s25, v5;
	v9 =	vmul.f32 v9, v55;
	v31 =	vld.idx.msk [tilespmem:v7+s12+$0x0], $0xffff;
	[tilespmem:v53+s17+$0x0] =	vst.idx.msk $0xffff, v12;
	(pc) =	sbr.rel @p0 .LBB2_9-.Ltmp6, $4  }
0x144: {  	v16 =	vadd.s32 s24, v5;
	v29 =	vor.u32 s31, v6;
	v61 =	vmul.f32 v14, v32;
	v25 =	vld.idx.msk [tilespmem:v37+s12+$0x0], $0xffff;
	[tilespmem:v24+s17+$0x0] =	vst.idx.msk $0xffff, v57  }
0x145: {  	v18 =	vadd.s32 s25, v4;
	v15 =	vadd.s32 s24, v4;
	v28 =	vld.idx.msk [tilespmem:v47+s12+$0x0], $0xffff;
	[tilespmem:v49+s17+$0x0] =	vst.idx.msk $0xffff, v9;
	v60 =	vmul.f32 v22, v52  }
0x146: {  	v58 =	vor.u32 s29, v6;
	v27 =	vor.u32 s0, v1;
	v24 =	vld.idx.msk [tilespmem:v63+s12+$0x0], $0xffff;
	[tilespmem:v51+s17+$0x0] =	vst.idx.msk $0xffff, v61  }
0x147: {  	s24 =	sadd.s32 $0x320, s24;
	v22 =	vld.idx.msk [tilespmem:v46+s12+$0x0], $0xffff;
	v30 =	vmul.f32 v13, v48;
	[tilespmem:v50+s17+$0x0] =	vst.idx.msk $0xffff, v60;
	v33 =	vmul.f32 v26, v8  }
0x148: {  	_ =	sdelay $0x3  }
0x149: {  	[tilespmem:v29+s17+$0x0] =	vst.idx.msk $0xffff, v33  }
0x14a: {  	[tilespmem:v27+s17+$0x0] =	vst.idx.msk $0xffff, v30  }
0x14b: {  	v60 =	vld [tilespmem:$0x1FEF0];
	_ =	sdelay $0x5  }
0x14c: {  	v11 =	vmul.f32 v23, v22;
	_ =	sdelay $0x1  }
0x14d: {  	v10 =	vld.idx.msk [tilespmem:v15+s12+$0x0], $0xffff;
	[tilespmem:v60+s17+$0x0] =	vst.idx.msk $0xffff, v11  }
0x14e: {  	v15 =	vld [tilespmem:$0x1FF00];
	_ =	sdelay $0x2  }
0x14f: {  	v7 =	vld.idx.msk [tilespmem:v18+s12+$0x0], $0xffff  }
0x150: {  	v8 =	vld.idx.msk [tilespmem:v17+s12+$0x0], $0xffff;
	_ =	sdelay $0x1  }
0x151: {  	v13 =	vmul.f32 v25, v19;
	_ =	sdelay $0x1  }
0x152: {  	[tilespmem:v15+s17+$0x0] =	vst.idx.msk $0xffff, v13  }
0x153: {  	v7 =	vmul.f32 v8, v7;
	v8 =	vld [tilespmem:$0x1FF10];
	_ =	sdelay $0x5  }
0x154: {  	v14 =	vmul.f32 v28, v24;
	_ =	sdelay $0x1  }
0x155: {  	v9 =	vld.idx.msk [tilespmem:v62+s12+$0x0], $0xffff;
	[tilespmem:v8+s17+$0x0] =	vst.idx.msk $0xffff, v14  }
0x156: {  	v62 =	vld [tilespmem:$0x1FF20];
	_ =	sdelay $0x5  }
0x157: {  	v61 =	vmul.f32 v31, v21;
	_ =	sdelay $0x1  }
0x158: {  	[tilespmem:v62+s17+$0x0] =	vst.idx.msk $0xffff, v61  }
0x159: {  	[tilespmem:v58+s17+$0x0] =	vst.idx.msk $0xffff, v7  }
0x15a: {  	v7 =	vld [tilespmem:$0x1FF30];
	_ =	sdelay $0x1  }
0x15b: {  	v12 =	vld.idx.msk [tilespmem:v16+s12+$0x0], $0xffff;
	_ =	sdelay $0x2  }
0x15c: {  	p0 =	seq.s32 s20, $0x18  }
.Ltmp7:
0x15d: {  	v8 =	vmul.f32 v9, v20;
	(pc) =	sbr.rel @p0 .LBB2_12-.Ltmp7, $4  }
0x15e: {  	s0 =	sadd.s32 s21, s9;
	v63 =	vmul.f32 v12, v10  }
0x15f: {  	s0 =	sshrl.u32 s0, $0x3;
	[tilespmem:v7+s17+$0x0] =	vst.idx.msk $0xffff, v8  }
0x160: {  	s0 =	sadd.s32 s2, s0;
	[tilespmem:v59+s17+$0x0] =	vst.idx.msk $0xffff, v63  }
0x161: {  	[hbm4b:s0+s3] =	stream.linear.scatter [tilespmem:s17], [sflag:$0x4], $0x1F40, $0x38;
	[tilespmem:$0xDC00] =	vst v63  }
0x162: {  	s0 =	smul.u32 $0x9C40, s20  }
.Ltmp8:
0x163: {  	_ = 	snop;
	(pc) =	sbr.rel .LBB2_2-.Ltmp8, $4  }
0x164: {  	s0 =	sadd.s32 s0, s10  }
0x165: {  	s0 =	sshrl.u32 s0, $0x3  }
0x166: {  	s20 =	sadd.s32 $0x1, s20;
	s0 =	sadd.s32 s4, s0  }
0x167: {  	[tilespmem:s12], [sflag:$0x2] =	stream.linear.gather [hbm4b:s0+s3], $0x4E20, $0x38;
	[tilespmem:$0xDC00] =	vst v63  }
.LBB2_13:
0x168: {  	_ =	sfence.sel $0x180000  }
0x169: {  	[bflag:$0x0] =	sbarrier.arrive $0xFFFF  }
0x16a: {  	_ =	strace $0x90000047  }
0x16b: {  	s0 =	stileid.u32;
	[bflag:$0x2] =	sbarrier.arrive $0xFFFF  }
0x16c: {  	p0 =	sne.s32 s0, $0x0;
	s0 =	rddreg [dreg:$0x2]  }
0x16d: {  	s0 =	sadd.s32 @!p0 $0x100000, s0  }
0x16e: {  	[sflag:s0] =	ssyncadd.tile.s32 @!p0 $0x1;
	_ =	shalt  }
.Lfunc_end2:
_tile_overlayer_lowered:
.L_overlay_start_2:
0x16f: {  	(tag) =	ssettag $0x2  }
0x170: {  	s0 =	rddreg [dreg:$0x0];
	s2 =	stileid.u32  }
0x171: {  	s1 =	rddreg [dreg:$0x1];
	p0 =	sne.s32 s2, $0x0  }
0x172: {  	s3 =	rddreg [dreg:$0x2];
	[bflag:$0x3] =	sbarrier.arrive $0xFFFF;
	s2 =	simm.s32 @!p0 $0x1C05  }
0x173: {  	[timem:s3], [sflag:s2] =	dma.local @!p0 [hbm:s0], s1  }
0x174: {  	s0 =	simm.s32 @!p0 $0x5  }
0x175: {  	_ =	swait.ge @!p0 [sflag:s0], s1  }
0x176: {  	s1 =	ssub.s32 @!p0 $0x0, s1;
	[sflag:s0] =	ssyncset.done @!p0 $0x0  }
0x177: {  	[sflag:s0] =	ssyncadd.s32 @!p0 s1  }
0x178: {  	[bflag:$0x3] =	sbarrier.arrive $0xFFFF  }
0x179: {  	_ =	shalt  }

// kernel: sparse-core-data-format-call.cloned.1.call-start
scs
called_computation_lowered:
.L_overlay_start_0:
0x0: {  	s2 =	sld [smem:$0x3FD9]  }
0x1: {  	s3 =	sld [smem:$0x3FFE];
	_ =	sdelay $0x1  }
0x2: {  	s1 =	srdreg.scid  }
0x3: {  	s0 =	sand.u32 $0x1, s1  }
0x4: {  	s18 =	sshll.u32 s0, $0xA;
	s2 =	sadd.s32 s3, s2  }
0x5: {  	s2 =	sadd.s32 s2, s18  }
0x6: {  	[smem:$0x3FC7] =	sst s2  }
0x7: {  	_ = 	snop  }
0x8: {  	s2 =	sld [smem:$0x3FD0];
	(tm) =	ssettm $0x1  }
0x9: {  	s19 =	sld [smem:$0x3FFB];
	_ =	sdelay $0x3  }
0xa: {  	_ =	strace s19  }
0xb: {  	s3 =	sld [smem:$0x3FFC];
	_ =	sdelay $0x3  }
0xc: {  	_ =	strace s3  }
0xd: {  	s3 =	sld [smem:$0x3FFD];
	_ =	sdelay $0x3  }
0xe: {  	_ =	strace s3  }
0xf: {  	_ =	strace $0x8FFFFFFF  }
0x10: {  	s20 =	sld [smem:$0x3FDB];
	_ =	sdelay $0x1  }
0x11: {  	s4 =	simm.s32 $_scs_section_size  }
0x12: {  	s5 =	simm.s32 $_size__tile_overlayer_lowered;
	s6 =	simm.s32 $_tile_overlayer_lowered  }
0x13: {  	s23 =	simm.s32 $0x1BFF;
	s22 =	sshll.u32 s6, $0x1;
	s3 =	sadd.s32 s4, s20  }
0x14: {  	s7 =	simm.s32 $0x0;
	s21 =	sshll.u32 s5, $0x1;
	s5 =	sadd.s32 s22, s3  }
0x15: {  	[timem:s7], [sflag:s23] =	dma.local [hbm:s5], s21  }
0x16: {  	_ =	swait.ge [sflag:s23], s21  }
0x17: {  	s4 =	ssub.s32 $0x0, s21;
	[sflag:s23] =	ssyncset.done $0x0  }
0x18: {  	[sflag:s23] =	ssyncadd.s32 s4;
	_ =	sdelay $0x1  }
0x19: {  	s24 =	simm.s32 $0x1B8B  }
0x1a: {  	_ =	swait.ge [sflag:s24], $0x1  }
0x1b: {  	[sflag:s24] =	ssyncset.done $0x0  }
0x1c: {  	s26 =	simm.s32 $0x1B8E;
	s25 =	sld [smem:$0x3FFE];
	[sflag:s24] =	ssyncadd.s32 $0xFFFFFFFF  }
0x1d: {  	s27 =	simm.s32 $execute0_lowered;
	[smem:$0x3FD2] =	sst s26  }
0x1e: {  	s5 =	sshll.u32 s27, $0x1;
	_ =	strace $0x80000049;
	[dreg:$0x1] =	wrdreg $0xFFFFFFFF  }
0x1f: {  	s28 =	simm.s32 $_size_execute0_lowered;
	s3 =	sadd.s32 s3, s5;
	[dreg:$0x0] =	wrdreg $0x0  }
0x20: {  	s5 =	sshll.u32 s28, $0x1;
	[dreg:$0x2] =	wrdreg s3  }
0x21: {  	[dreg:$0x3] =	wrdreg s5  }
0x22: {  	[dreg:$0x4] =	wrdreg $0xC0  }
0x23: {  	_ =	task [dreg:s7], $0x5FFFF  }
0x24: {  	[dreg:$0x1] =	wrdreg $0xFFFFFFFF  }
0x25: {  	[dreg:$0x0] =	wrdreg $0x60  }
0x26: {  	[dreg:$0x2] =	wrdreg s25  }
0x27: {  	[dreg:$0x3] =	wrdreg s2  }
0x28: {  	[dreg:$0x4] =	wrdreg $0x9  }
0x29: {  	_ =	task.clear_ibuf [dreg:s7], $0x5FFFF;
	_ =	strace $0x90000049  }
0x2a: {  	s29 =	simm.s32 $0x9;
	_ =	strace $0x8000004B  }
0x2b: {  	_ =	swait.ge [sflag:s29], $0x1  }
0x2c: {  	[sflag:s29] =	ssyncadd.s32 $0xFFFFFFFF  }
0x2d: {  	_ =	strace $0x9000004B  }
0x2e: {  	_ =	sfence  }
0x2f: {  	s30 =	sld [smem:$0x0];
	_ =	sdelay $0x2  }
0x30: {  	s31 =	sshll.u32 s1, $0xD;
	s1 =	sshrl.u32 s1, $0x2  }
0x31: {  	s3 =	sand.u32 $0x4000, s31;
	s1 =	sadd.s32 s1, s30  }
0x32: {  	s0 =	sor.u32 s3, s0;
	s1 =	sshll.u32 s1, $0x11  }
0x33: {  	s0 =	sor.u32 s1, s0  }
0x34: {  	s0 =	sadd.s32 $0x8F2B, s0  }
0x35: {  	[sflag:s0] =	ssyncadd.remote.s32 $0x1  }
0x36: {  	_ =	sfence.sel $0xFFFF  }
0x37: {  	[dreg:$0x0] =	wrdreg $0xFFFFFFFF;
	(pc) =	sbr.abs _section_cstart, $3  }
0x38: {  	[dreg:$0x1] =	wrdreg $0xFFFFFFFF  }
0x39: {  	_ =	task.clear_ibuf [dreg:s7], $0x2FFFF;
	_ =	strace $0x9FFFFFFF  }
0x3a: {  	(tm) =	ssettm $0x7FFFFFFF  }
0x3b: {  	_ =	shalt  }
tec
execute0_lowered:
.L_overlay_start_1:
0x0: {  	(tag) =	ssettag $0x1  }
0x1: {  	s0 =	srdreg.scid  }
0x2: {  	s5 =	rddreg [dreg:$0x0];
	s1 =	sshll.u32 s0, $0x4  }
0x3: {  	s2 =	rddreg [dreg:$0x1];
	s0 =	stileid.u32;
	s1 =	sand.u32 $0x10, s1  }
0x4: {  	s4 =	simm.s32 $0x1;
	s8 =	simm.s32 $0x2;
	s1 =	sor.u32 s0, s1  }
0x5: {  	s12 =	simm.s32 $0x0;
	s9 =	simm.s32 $0x0;
	s3 =	sshll.u32 s1, $0x7  }
0x6: {  	s11 =	simm.s32 $0x0;
	s5 =	sadd.s32 $0x800, s5;
	s6 =	ssub.s32 $0x61A800, s3  }
.Ltmp0:
0x7: {  	s1 =	rddreg [dreg:$0x2];
	s7 =	sand.u32 $0xF80, s6;
	(pc) =	sbr.rel .LBB1_1-.Ltmp0, $4  }
0x8: {  	_ =	strace $0x8000004A;
	p0 =	sne.s32 s7, $0x0;
	s7 =	simm.s32 $0x1  }
0x9: {  	[sflag:s4] =	ssyncpa.u1 $0x0;
	s6 =	sshrl.u32 s6, $0xC;
	s7 =	simm.s32 @!p0 $0x0  }
0xa: {  	s10 =	smov.u32 s3;
	[sflag:s8] =	ssyncpa.u1 $0x0;
	s6 =	sadd.s32 s7, s6  }
0xb: {  	s8 =	simm.s32 $0xC35000;
	p0 =	por $0x0, $0x0;
	s7 =	sadd.s32 $0x1, s6  }
.LBB1_4:
0xc: {  	s15 =	sshll.u32 s9, $0x1  }
0xd: {  	s16 =	sand.u32 $0x7F, s9;
	p1 =	sgt.s32 s9, $0x61A780;
	s18 =	smov.u32 s9  }
0xe: {  	s19 =	sshra.s32 s9, $0x1F;
	s17 =	sand.u32 $0xFFFFFF00, s15;
	s15 =	sshrl.u32 s15, $0xB  }
0xf: {  	s18 =	simm.s32 @!p1 $0x61A780;
	s19 =	sand.u32 s19, s9;
	s15 =	smulhi.u32 $0x14F8B6, s15  }
0x10: {  	s16 =	sor.u32 s16, s17;
	s25 =	ssub.s32 s18, s19  }
0x11: {  	s17 =	sadd.s32 $0xFF9E5880, s25;
	s26 =	smul.u32 $0x61A800, s15;
	s15 =	sand.u32 $0x1, s15  }
0x12: {  	s27 =	sshll.u32 s17, $0x3;
	p1 =	seq.s32 s15, $0x1;
	s15 =	simm.s32 $0xC3500  }
0x13: {  	s28 =	ssub.s32 $0x400, s27;
	s16 =	ssub.s32 s16, s26;
	s15 =	simm.s32 @!p1 $0x0  }
0x14: {  	p1 =	sgt.s32 s17, $0x7F;
	s17 =	sshrl.u32 s28, $0x2;
	s29 =	sand.u32 $0x7, s16  }
0x15: {  	s16 =	sshrl.u32 s16, $0x3;
	s15 =	sadd.s32 s2, s15;
	s18 =	sshll.u32 s29, $0x12  }
0x16: {  	[tilespmem:s14+$0x0 ss:$0x81] =	vst.msk $0xffff, v0;
	s17 =	simm.s32 @p1 $0x0;
	s30 =	sadd.s32 s16, s15;
	s31 =	sor.u32 $0x100, s18  }
0x17: {  	[hbm4b:s30+s31] =	stream.strided.scatter [tilespmem:s13], [sflag:$0x2], s17, s8, s31, $0x20;
	[tilespmem:$0x4040] =	vst v63  }
.LBB1_5:
0x18: {  	p1 =	slt.u32 s11, $0x2  }
0x19: {  	p2 =	sgt.s32 @!p1 s12, $0x61A780  }
0x1a: {  	s13 =	smov.u32 s12;
	s14 =	sshra.s32 @!p1 s12, $0x1F;
	p2 =	por !p2, p1  }
0x1b: {  	s12 =	sand.u32 @!p1 s14, s12;
	s13 =	simm.s32 @p2 $0x61A780  }
0x1c: {  	s12 =	ssub.s32 @!p1 s13, s12  }
0x1d: {  	s12 =	sadd.s32 @!p1 $0xFF9E5880, s12  }
0x1e: {  	s13 =	sshll.u32 @!p1 s12, $0x3  }
0x1f: {  	p2 =	sgt.s32 @!p1 s12, $0x7F;
	s12 =	ssub.s32 @!p1 $0x400, s13  }
0x20: {  	s14 =	sadd.s32 $0x1000, s10;
	p2 =	por !p2, p1;
	s12 =	sshrl.u32 @!p1 s12, $0x2  }
0x21: {  	s12 =	simm.s32 @!p2 $0x0;
	p2 =	sgt.s32 s14, $0x61A7FF  }
0x22: {  	s14 =	smov.u32 @p2 s3;
	p2 =	sne.s32 s11, s7  }
.Ltmp1:
0x23: {  	_ = 	snop;
	(pc) =	sbr.rel @!p2 .LBB1_6-.Ltmp1, $4  }
0x24: {  	s13 =	simm.s32 @!p1 $0x2  }
0x25: {  	p0 =	por !p0, !p0;
	_ =	swait.ge @!p1 [sflag:s13], s12;
	s15 =	ssub.s32 @!p1 $0x0, s12  }
0x26: {  	s12 =	smov.u32 s9;
	s11 =	sadd.s32 $0x1, s11;
	[sflag:s13] =	ssyncset.done @!p1 $0x0  }
0x27: {  	s9 =	smov.u32 s10;
	s10 =	smov.u32 s14;
	[sflag:s13] =	ssyncadd.s32 @!p1 s15  }
.LBB1_1:
0x28: {  	p1 =	sge.u32 s11, s6  }
0x29: {  	s13 =	sand.u32 @!p1 $0x1FFFFFF, s10  }
0x2a: {  	s14 =	smulhi.u32 @!p1 $0x14F8B59, s13;
	_ =	sdelay $0x1  }
0x2b: {  	s14 =	sshrl.u32 @!p1 s14, $0xF  }
0x2c: {  	s14 =	smul.u32 @!p1 $0x61A800, s14;
	_ =	sdelay $0x1  }
0x2d: {  	s31 =	sadd.s32 $0xFFFFFFFF, s11;
	s15 =	sxor.u32 @!p1 $0xFFFFFFFF, s11;
	s13 =	ssub.s32 @!p1 s13, s14  }
0x2e: {  	s16 =	simm.s32 @!p1 $0x80;
	s15 =	sshll.u32 @!p1 s15, $0xC;
	s13 =	sshll.u32 @!p1 s13, $0x4  }
0x2f: {  	s14 =	sand.u32 @!p1 $0x1000, s15;
	s15 =	simm.s32 @!p1 $0x20;
	s13 =	sadd.s32 @!p1 s5, s13  }
0x30: {  	[tilespmem:s14], [sflag:$0x1] =	stream.strided.gather @!p1 [hbm4b:s13+s15], $0x1000, s16, s15, $0x38;
	[tilespmem:$0x4040] =	vst v63  }
0x31: {  	p1 =	sge.u32 s31, s6  }
.Ltmp2:
0x32: {  	_ = 	snop;
	(pc) =	sbr.rel @p1 .LBB1_5-.Ltmp2, $1  }
0x33: {  	_ =	sdelay $0x3  }
0x34: {  	s13 =	simm.s32 $0x1  }
0x35: {  	_ =	swait.ge [sflag:s4], $0x1000;
	s13 =	simm.s32 @!p0 $0x0  }
0x36: {  	[sflag:s4] =	ssyncset.done $0x0;
	s14 =	sshll.u32 s13, $0xC  }
0x37: {  	[sflag:s4] =	ssyncadd.s32 $0xFFFFF000;
	s17 =	sor.u32 $0x10, s14  }
0x38: {  	s13 =	smul.u32 $0x4080, s13;
	v1 =	vld [tilespmem:s17+$0x0]  }
0x39: {  	s30 =	sand.u32 $0x1, s11;
	v0 =	vld [tilespmem:s17+$0xFFFFFFF0]  }
0x3a: {  	s14 =	smul.u32 $0x4080, s30;
	s13 =	sshrl.u32 s13, $0x2  }
0x3b: {  	s15 =	sor.u32 $0x2000, s13  }
0x3c: {  	s31 =	sshrl.u32 s14, $0x2;
	s14 =	sadd.s32 $0x0, s15  }
0x3d: {  	s16 =	simm.s32 $0x4;
	s17 =	sadd.s32 $0x20, s17;
	s13 =	sor.u32 $0x2000, s31;
	[tilespmem:s14+$0x810 ss:$0x81] =	vst.msk $0xffff, v1  }
.LBB1_3:
0x3e: {  	v1 =	vld [tilespmem:s17+$0x0];
	p1 =	sne.s32 s16, $0x1FC;
	[tilespmem:s14+$0x0 ss:$0x81] =	vst.msk $0xffff, v0;
	s14 =	smov.u32 s16;
	s16 =	sadd.s32 $0x4, s16  }
.Ltmp3:
0x3f: {  	v0 =	vld [tilespmem:s17+$0xFFFFFFF0];
	(pc) =	sbr.rel @p1 .LBB1_3-.Ltmp3, $4  }
0x40: {  	_ = 	snop  }
0x41: {  	s14 =	sshra.s32 s14, $0x2  }
0x42: {  	s14 =	sadd.s32 s14, s15  }
0x43: {  	s17 =	sadd.s32 $0x20, s17;
	[tilespmem:s14+$0x810 ss:$0x81] =	vst.msk $0xffff, v1  }
.Ltmp4:
0x44: {  	_ = 	snop;
	(pc) =	sbr.rel .LBB1_4-.Ltmp4, $1  }
0x45: {  	_ =	sdelay $0x3  }
.LBB1_6:
0x46: {  	_ =	sfence.sel $0x180000  }
0x47: {  	s2 =	simm.s32 $0x1;
	[bflag:$0x0] =	sbarrier.arrive $0xFFFF  }
0x48: {  	s31 =	simm.s32 $0x2;
	[sflag:s2] =	ssyncpa.u1 $0x1  }
0x49: {  	[sflag:s31] =	ssyncpa.u1 $0x1  }
0x4a: {  	p0 =	sne.s32 s0, $0x0;
	_ =	strace $0x9000004A  }
0x4b: {  	s0 =	sadd.s32 @!p0 $0x100000, s1;
	[bflag:$0x2] =	sbarrier.arrive $0xFFFF  }
0x4c: {  	[sflag:s0] =	ssyncadd.tile.s32 @!p0 $0x1;
	_ =	shalt  }
.Lfunc_end1:
_tile_overlayer_lowered:
.L_overlay_start_2:
0x4d: {  	(tag) =	ssettag $0x2  }
0x4e: {  	s0 =	rddreg [dreg:$0x0];
	s2 =	stileid.u32  }
0x4f: {  	s1 =	rddreg [dreg:$0x1];
	p0 =	sne.s32 s2, $0x0  }
0x50: {  	s3 =	rddreg [dreg:$0x2];
	[bflag:$0x3] =	sbarrier.arrive $0xFFFF;
	s2 =	simm.s32 @!p0 $0x1C01  }
0x51: {  	[timem:s3], [sflag:s2] =	dma.local @!p0 [hbm:s0], s1  }
0x52: {  	s0 =	simm.s32 @!p0 $0x1  }
0x53: {  	_ =	swait.ge @!p0 [sflag:s0], s1  }
0x54: {  	s1 =	ssub.s32 @!p0 $0x0, s1;
	[sflag:s0] =	ssyncset.done @!p0 $0x0  }
0x55: {  	[sflag:s0] =	ssyncadd.s32 @!p0 s1  }
0x56: {  	[bflag:$0x3] =	sbarrier.arrive $0xFFFF  }
0x57: {  	_ =	shalt  }

</sc_bundles>
